<compile_context>
chip_gen: v7x
topology: tpu7x:2x2x1
jax: 0.10.2.dev20260603
libtpu: 0.0.44.dev20260713+nightly
codegen_flags: <defaults>
</compile_context>

<pallas_src>
import functools

import jax
import jax.numpy as jnp
from jax import lax
from jax.experimental import pallas as pl
from jax.experimental.pallas import tpu as pltpu
from jax.experimental.pallas import tpu_sc as plsc

NC = 2
NS = 16
L = 16
ROW = 128
CH = 8


def _sc_two_layer_agg(n_pad, e_rows, feat):
  rt = e_rows // NS
  zrows = n_pad // NS
  ch = CH
  erows_blk = 128
  assert rt % ch == 0 and ch % 8 == 0
  assert zrows % erows_blk == 0
  mesh = plsc.VectorSubcoreMesh(core_axis_name="c", subcore_axis_name="s")

  @functools.partial(
      pl.kernel,
      out_type=[
          jax.ShapeDtypeStruct((2 * n_pad, feat), jnp.float32),
          jax.ShapeDtypeStruct((2 * n_pad, feat), jnp.float32),
      ],
      mesh=mesh,
      scratch_types=[
          pltpu.VMEM_SHARED((n_pad, feat), jnp.float32),
          pltpu.VMEM((ch, ROW), jnp.int32),
          pltpu.VMEM((ch, ROW), jnp.int32),
          pltpu.VMEM((ROW, feat), jnp.float32),
          pltpu.VMEM((ROW, feat), jnp.float32),
          pltpu.VMEM((ROW, feat), jnp.float32),
          pltpu.VMEM((ROW, feat), jnp.float32),
          pltpu.VMEM((erows_blk, feat), jnp.float32),
          pltpu.VMEM((erows_blk, feat), jnp.float32),
          pltpu.VMEM((feat,), jnp.float32),
          pltpu.SemaphoreType.DMA,
          pltpu.SemaphoreType.DMA,
          pltpu.SemaphoreType.DMA,
          pltpu.SemaphoreType.DMA,
          pltpu.SemaphoreType.DMA,
          pltpu.SemaphoreType.DMA,
          pltpu.SemaphoreType.DMA,
          pltpu.SemaphoreType.DMA,
      ],
      compiler_params=pltpu.CompilerParams(use_tc_tiling_on_sc=False),
  )
  def k(m2, src_cat, dst2, b1s, x2, agg2, acc, srcb, dstb, rows0, rows1,
        rows2, rows3, zbuf, ebuf, bbuf, sem0, sem1, sem2, sem3,
        ssem0, ssem1, ssem2, ssem3):
    c = lax.axis_index("c")
    s = lax.axis_index("s")

    def zb(r, _):
      for kk in range(feat // L):
        zbuf[r, pl.ds(kk * L, L)] = jnp.zeros((L,), jnp.float32)
      return 0
    lax.fori_loop(0, erows_blk, zb, 0)

    zbase = s * zrows
    def zc(i, _):
      pltpu.sync_copy(zbuf, acc.at[pl.ds(zbase + i * erows_blk, erows_blk)])
      return 0
    lax.fori_loop(0, zrows // erows_blk, zc, 0)

    pltpu.sync_copy(b1s.at[c], bbuf)
    plsc.subcore_barrier()

    def agg_pass(table):
      base = s * rt

      def chunk(q, _):
        pltpu.sync_copy(src_cat.at[c, pl.ds(base + q * ch, ch)], srcb)
        pltpu.sync_copy(dst2.at[pl.ds(base + q * ch, ch)], dstb)

        def step(i, _):
          j = 4 * i
          d0 = pltpu.async_copy(table.at[srcb.at[j]], rows0, sem0)
          d1 = pltpu.async_copy(table.at[srcb.at[j + 1]], rows1, sem1)
          d2 = pltpu.async_copy(table.at[srcb.at[j + 2]], rows2, sem2)
          d3 = pltpu.async_copy(table.at[srcb.at[j + 3]], rows3, sem3)
          d0.wait()
          s0 = pltpu.async_copy(rows0, acc.at[dstb.at[j]], ssem0, add=True)
          d1.wait()
          s1 = pltpu.async_copy(rows1, acc.at[dstb.at[j + 1]], ssem1,
                                add=True)
          d2.wait()
          s2 = pltpu.async_copy(rows2, acc.at[dstb.at[j + 2]], ssem2,
                                add=True)
          d3.wait()
          s3 = pltpu.async_copy(rows3, acc.at[dstb.at[j + 3]], ssem3,
                                add=True)
          s0.wait(); s1.wait(); s2.wait(); s3.wait()
          return 0
        lax.fori_loop(0, ch // 4, step, 0)
        return 0
      lax.fori_loop(0, rt // ch, chunk, 0)

    agg_pass(m2)
    plsc.subcore_barrier()

    bb = [bbuf[pl.ds(kk * L, L)] for kk in range(feat // L)]
    def ep1(i, _):
      b = zbase + i * erows_blk
      pltpu.sync_copy(acc.at[pl.ds(b, erows_blk)], ebuf)
      pltpu.sync_copy(zbuf, acc.at[pl.ds(b, erows_blk)])
      def rowfix(r, _):
        for kk in range(feat // L):
          v = ebuf[r, pl.ds(kk * L, L)] + bb[kk]
          ebuf[r, pl.ds(kk * L, L)] = jnp.maximum(v, 0.0)
        return 0
      lax.fori_loop(0, erows_blk, rowfix, 0)
      pltpu.sync_copy(ebuf, x2.at[pl.ds(c * n_pad + b, erows_blk)])
      return 0
    lax.fori_loop(0, zrows // erows_blk, ep1, 0)
    plsc.subcore_barrier()

    agg_pass(x2)
    plsc.subcore_barrier()

    def ep2(i, _):
      b = zbase + i * erows_blk
      pltpu.sync_copy(acc.at[pl.ds(b, erows_blk)],
                      agg2.at[pl.ds(c * n_pad + b, erows_blk)])
      return 0
    lax.fori_loop(0, zrows // erows_blk, ep2, 0)

  return k


def _tc_matmul1(n_nodes, n_pad, din, dout, feat, bn):
  def body(h_ref, w_ref, o_ref):
    r = jnp.dot(h_ref[...], w_ref[...], preferred_element_type=jnp.float32)
    o_ref[0] = r[:, :feat]
    o_ref[1] = r[:, feat:]

  return pl.pallas_call(
      body,
      grid=(n_nodes // bn,),
      in_specs=[
          pl.BlockSpec((bn, din), lambda i: (i, 0)),
          pl.BlockSpec((din, dout), lambda i: (0, 0)),
      ],
      out_specs=pl.BlockSpec((2, bn, feat), lambda i: (0, i, 0)),
      out_shape=jax.ShapeDtypeStruct((2, n_pad, feat), jnp.float32),
  )


def _tc_matmul2(n_nodes, n_pad, dout, nfeat, feat, bn):
  def body(a_ref, w_ref, b_ref, o_ref):
    a = a_ref[...]
    r = jnp.dot(a[0], w_ref[:feat, :], preferred_element_type=jnp.float32)
    r = r + jnp.dot(a[1], w_ref[feat:, :], preferred_element_type=jnp.float32)
    o_ref[...] = jnp.maximum(r + b_ref[...], 0.0)

  return pl.pallas_call(
      body,
      grid=(n_nodes // bn,),
      in_specs=[
          pl.BlockSpec((2, bn, feat), lambda i: (0, i, 0)),
          pl.BlockSpec((dout, nfeat), lambda i: (0, 0)),
          pl.BlockSpec((nfeat,), lambda i: (0,)),
      ],
      out_specs=pl.BlockSpec((bn, nfeat), lambda i: (i, 0)),
      out_shape=jax.ShapeDtypeStruct((n_nodes, nfeat), jnp.float32),
  )


@jax.jit
def kernel(h, edge_index, W1, b1, W2, b2):
  n_nodes = h.shape[0]
  din = h.shape[1]
  dout = W1.shape[1]
  nfeat = W2.shape[1]
  n_edges = edge_index.shape[1]
  feat = dout // 2

  erow_pad = -(-n_edges // (ROW * NS * CH)) * (NS * CH)
  e_pad = erow_pad * ROW
  n_pad = -(-(n_nodes + 1) // (128 * NS)) * (128 * NS)

  src = edge_index[0]
  dst = edge_index[1]
  pad = e_pad - n_edges
  src_p = jnp.concatenate([src, jnp.zeros((pad,), jnp.int32)])
  dst_p = jnp.concatenate([dst, jnp.full((pad,), n_nodes, jnp.int32)])
  src2 = src_p.reshape(erow_pad, ROW)
  src_cat = jnp.stack([src2, src2 + n_pad])
  dst2 = dst_p.reshape(erow_pad, ROW)
  b1s = b1.reshape(2, feat)

  m3 = _tc_matmul1(n_nodes, n_pad, din, dout, feat, 2000)(h, W1)
  m2 = m3.reshape(2 * n_pad, feat)

  sc = _sc_two_layer_agg(n_pad, erow_pad, feat)
  _, agg2 = sc(m2, src_cat, dst2, b1s)

  agg2r = agg2.reshape(2, n_pad, feat)
  return _tc_matmul2(n_nodes, n_pad, dout, nfeat, feat, 2000)(agg2r, W2, b2)

# --- scband reference (transcript-rebuilt; emitter-appended) ---
"""Pipeline reference for scband-attribute-decoder-28140625723762 (READ-ONLY COPY).

The authoritative reference and input builder live on the scoring server;
editing this copy changes nothing except your own understanding.
"""

import jax, jax.numpy as jnp
import numpy as np

N = 50000
E = 800000
NHID = 64
VIEW = 2
NFEAT = 128


def setup_inputs(seed: int = 0) -> dict:
    key = jax.random.key(seed)
    k1, k2, k3, k4, k5, k6 = jax.random.split(key, 6)
    h = jax.random.normal(k1, (N, NHID * VIEW), dtype=jnp.float32)
    edge_index = jax.random.randint(k2, (2, E), 0, N, dtype=jnp.int32)
    # DGL GraphConv params: weight (in_feats, out_feats), bias (out_feats,)
    W1 = jax.random.normal(k3, (NHID * VIEW, NHID), dtype=jnp.float32) * (1.0 / np.sqrt(NHID * VIEW))
    b1 = jnp.zeros((NHID,), dtype=jnp.float32)
    W2 = jax.random.normal(k4, (NHID, NFEAT), dtype=jnp.float32) * (1.0 / np.sqrt(NHID))
    b2 = jnp.zeros((NFEAT,), dtype=jnp.float32)
    return {"h": h, "edge_index": edge_index, "W1": W1, "b1": b1, "W2": W2, "b2": b2}


def reference(h, edge_index, W1, b1, W2, b2):
    # AttributeDecoder.forward(g, h) with DGL GraphConv(norm='none'):
    #   out[v] = sum_{u -> v} (x[u] @ W) + b   (no degree normalization)
    # gc1: in=nhid*view_num=128 > out=nhid=64 -> mult weight first, then aggregate
    # gc2: in=nhid=64 <= out=nfeat=128 -> aggregate first, then mult (same math)
    # Dropout is identity in eval mode (training=False) and is skipped here.
    src = edge_index[0]
    dst = edge_index[1]
    m = h @ W1
    agg1 = jax.ops.segment_sum(jnp.take(m, src, axis=0), dst, num_segments=N)
    x = jax.nn.relu(agg1 + b1)
    agg2 = jax.ops.segment_sum(jnp.take(x, src, axis=0), dst, num_segments=N)
    x2 = jax.nn.relu(agg2 @ W2 + b2)
    return x2

if __name__ == "__main__":
    import jax
    _d = setup_inputs()
    print(jax.jit(kernel)(*tuple(_d.values())))

</pallas_src>

<mosaic_0001>
#map = affine_map<(d0, d1) -> (0, 0)>
#map1 = affine_map<(d0, d1) -> (0, 0, 0)>
module attributes {stable_mosaic.version = 14 : i64} {
  func.func @k(%arg0: i32, %arg1: i32, %arg2: memref<102400x32xf32, #tpu.memory_space<hbm>>, %arg3: memref<2x6272x128xi32, #tpu.memory_space<hbm>>, %arg4: memref<6272x128xi32, #tpu.memory_space<hbm>>, %arg5: memref<2x32xf32, #tpu.memory_space<hbm>>, %arg6: memref<102400x32xf32, #tpu.memory_space<hbm>>, %arg7: memref<102400x32xf32, #tpu.memory_space<hbm>>, %arg8: memref<51200x32xf32, #tpu.memory_space<vmem_shared>>, %arg9: memref<8x128xi32, #tpu.memory_space<vmem>>, %arg10: memref<8x128xi32, #tpu.memory_space<vmem>>, %arg11: memref<128x32xf32, #tpu.memory_space<vmem>>, %arg12: memref<128x32xf32, #tpu.memory_space<vmem>>, %arg13: memref<128x32xf32, #tpu.memory_space<vmem>>, %arg14: memref<128x32xf32, #tpu.memory_space<vmem>>, %arg15: memref<128x32xf32, #tpu.memory_space<vmem>>, %arg16: memref<128x32xf32, #tpu.memory_space<vmem>>, %arg17: memref<32xf32, #tpu.memory_space<vmem>>, %arg18: memref<!tpu.dma_semaphore, #tpu.memory_space<semaphore_mem>>, %arg19: memref<!tpu.dma_semaphore, #tpu.memory_space<semaphore_mem>>, %arg20: memref<!tpu.dma_semaphore, #tpu.memory_space<semaphore_mem>>, %arg21: memref<!tpu.dma_semaphore, #tpu.memory_space<semaphore_mem>>, %arg22: memref<!tpu.dma_semaphore, #tpu.memory_space<semaphore_mem>>, %arg23: memref<!tpu.dma_semaphore, #tpu.memory_space<semaphore_mem>>, %arg24: memref<!tpu.dma_semaphore, #tpu.memory_space<semaphore_mem>>, %arg25: memref<!tpu.dma_semaphore, #tpu.memory_space<semaphore_mem>>) attributes {dimension_semantics = [#tpu.dimension_semantics<core_parallel>, #tpu.dimension_semantics<subcore_parallel>], iteration_bounds = array<i64: 2, 16>, scalar_prefetch = 0 : i64, scratch_operands = 18 : i64, tpu.core_type = #tpu.core_type<sc_vector_subcore>, window_params = [{transform_indices = #map}, {transform_indices = #map1}, {transform_indices = #map}, {transform_indices = #map}, {transform_indices = #map}, {transform_indices = #map}]} {
    %scan3A = arith.constant 0 : i32
    %scan3A_0 = arith.constant 0 : i32
    %scan3A_1 = arith.constant 128 : i32
    %scan3A_2 = arith.addi %scan3A_0, %scan3A_1 : i32
    %scan3A_3 = arith.constant 1 : i32
    %scan3A_4 = scf.for %scan3A_54 = %scan3A_0 to %scan3A_2 step %scan3A_3 iter_args(%scan3A_55 = %scan3A) -> (i32)  : i32 {
      %broadcast_in_dim3A = arith.constant 0.000000e+00 : f32
      %broadcast_in_dim3A_56 = vector.broadcast %broadcast_in_dim3A : f32 to vector<16xf32>
      %swap3A = arith.index_cast %scan3A_54 : i32 to index
      %swap3A_57 = arith.constant 0 : index
      %swap3A_58 = tpu.vector_load %arg15[%swap3A, %swap3A_57] {strides = array<i32>} : memref<128x32xf32, #tpu.memory_space<vmem>>, vector<1x16xf32>,
      %swap3A_59 = vector.shape_cast %swap3A_58 : vector<1x16xf32> to vector<16xf32>
      %swap3A_60 = vector.shape_cast %broadcast_in_dim3A_56 : vector<16xf32> to vector<1x16xf32>
      tpu.vector_store %arg15[%swap3A, %swap3A_57], %swap3A_60 {strides = array<i32>} : memref<128x32xf32, #tpu.memory_space<vmem>>, vector<1x16xf32>,
      %broadcast_in_dim3A_61 = arith.constant 0.000000e+00 : f32
      %broadcast_in_dim3A_62 = vector.broadcast %broadcast_in_dim3A_61 : f32 to vector<16xf32>
      %swap3A_63 = arith.index_cast %scan3A_54 : i32 to index
      %swap3A_64 = arith.constant 16 : index
      %swap3A_65 = tpu.vector_load %arg15[%swap3A_63, %swap3A_64] {strides = array<i32>} : memref<128x32xf32, #tpu.memory_space<vmem>>, vector<1x16xf32>,
      %swap3A_66 = vector.shape_cast %swap3A_65 : vector<1x16xf32> to vector<16xf32>
      %swap3A_67 = vector.shape_cast %broadcast_in_dim3A_62 : vector<16xf32> to vector<1x16xf32>
      tpu.vector_store %arg15[%swap3A_63, %swap3A_64], %swap3A_67 {strides = array<i32>} : memref<128x32xf32, #tpu.memory_space<vmem>>, vector<1x16xf32>,
      %scan3A_68 = arith.constant 0 : i32
      scf.yield %scan3A_68 : i32
    }
    %scan3A_5 = arith.constant 128 : i32
    %mul3A = arith.constant 3200 : i32
    %mul3A_6 = arith.muli %arg1, %mul3A : i32
    %scan3A_7 = arith.constant 0 : i32
    %scan3A_8 = arith.constant 0 : i32
    %scan3A_9 = arith.constant 25 : i32
    %scan3A_10 = arith.addi %scan3A_8, %scan3A_9 : i32
    %scan3A_11 = arith.constant 1 : i32
    %scan3A_12 = scf.for %scan3A_54 = %scan3A_8 to %scan3A_10 step %scan3A_11 iter_args(%scan3A_55 = %scan3A_7) -> (i32)  : i32 {
      %mul3A_56 = arith.constant 128 : i32
      %mul3A_57 = arith.muli %scan3A_54, %mul3A_56 : i32
      %add3A = arith.addi %mul3A_6, %mul3A_57 : i32
      "tpu.region"() ({
        %run_scoped3A = tpu.sem_alloc : memref<!tpu.dma_semaphore, #tpu.memory_space<semaphore_mem>>
        %dma_start3A = arith.constant 0 : i32
        %dma_start3A_59 = tpu.memref_slice %arg8[%add3A, %dma_start3A] : memref<51200x32xf32, #tpu.memory_space<vmem_shared>> -> memref<128x32xf32, #tpu.memory_space<vmem_shared>>
        %dma_start3A_60 = arith.constant 0 : i32
        %dma_start3A_61 = tpu.memref_slice %arg8[%add3A, %dma_start3A_60] : memref<51200x32xf32, #tpu.memory_space<vmem_shared>> -> memref<128x32xf32, #tpu.memory_space<vmem_shared>>
        tpu.enqueue_dma source(%arg15 : memref<128x32xf32, #tpu.memory_space<vmem>>) target(%dma_start3A_61 : memref<128x32xf32, #tpu.memory_space<vmem_shared>>) target_semaphore(%run_scoped3A : memref<!tpu.dma_semaphore, #tpu.memory_space<semaphore_mem>>)
        %dma_wait3A = arith.constant 0 : i32
        %dma_wait3A_62 = tpu.memref_slice %arg8[%add3A, %dma_wait3A] : memref<51200x32xf32, #tpu.memory_space<vmem_shared>> -> memref<128x32xf32, #tpu.memory_space<vmem_shared>>
        %dma_wait3A_63 = arith.constant 0 : i32
        %dma_wait3A_64 = tpu.memref_slice %arg8[%add3A, %dma_wait3A_63] : memref<51200x32xf32, #tpu.memory_space<vmem_shared>> -> memref<128x32xf32, #tpu.memory_space<vmem_shared>>
        tpu.wait_dma2 semaphore(%run_scoped3A : memref<!tpu.dma_semaphore, #tpu.memory_space<semaphore_mem>>) src(%arg15 : memref<128x32xf32, #tpu.memory_space<vmem>>) dst(%dma_wait3A_64 : memref<128x32xf32, #tpu.memory_space<vmem_shared>>)
        tpu.yield
      }) : () -> ()
      %scan3A_58 = arith.constant 0 : i32
      scf.yield %scan3A_58 : i32
    }
    %scan3A_13 = arith.constant 25 : i32
    "tpu.region"() ({
      %run_scoped3A = tpu.sem_alloc : memref<!tpu.dma_semaphore, #tpu.memory_space<semaphore_mem>>
      %dma_start3A = arith.constant 0 : i32
      %dma_start3A_54 = tpu.memref_slice %arg5[%arg0, %dma_start3A] : memref<2x32xf32, #tpu.memory_space<hbm>> -> memref<1x32xf32, #tpu.memory_space<hbm>>
      %dma_start3A_55 = tpu.memref_squeeze %dma_start3A_54 : memref<1x32xf32, #tpu.memory_space<hbm>> -> memref<32xf32, #tpu.memory_space<hbm>>
      %dma_start3A_56 = arith.constant 0 : i32
      %dma_start3A_57 = tpu.memref_slice %arg5[%arg0, %dma_start3A_56] : memref<2x32xf32, #tpu.memory_space<hbm>> -> memref<1x32xf32, #tpu.memory_space<hbm>>
      %dma_start3A_58 = tpu.memref_squeeze %dma_start3A_57 : memref<1x32xf32, #tpu.memory_space<hbm>> -> memref<32xf32, #tpu.memory_space<hbm>>
      tpu.enqueue_dma source(%dma_start3A_58 : memref<32xf32, #tpu.memory_space<hbm>>) target(%arg17 : memref<32xf32, #tpu.memory_space<vmem>>) target_semaphore(%run_scoped3A : memref<!tpu.dma_semaphore, #tpu.memory_space<semaphore_mem>>)
      %dma_wait3A = arith.constant 0 : i32
      %dma_wait3A_59 = tpu.memref_slice %arg5[%arg0, %dma_wait3A] : memref<2x32xf32, #tpu.memory_space<hbm>> -> memref<1x32xf32, #tpu.memory_space<hbm>>
      %dma_wait3A_60 = tpu.memref_squeeze %dma_wait3A_59 : memref<1x32xf32, #tpu.memory_space<hbm>> -> memref<32xf32, #tpu.memory_space<hbm>>
      %dma_wait3A_61 = arith.constant 0 : i32
      %dma_wait3A_62 = tpu.memref_slice %arg5[%arg0, %dma_wait3A_61] : memref<2x32xf32, #tpu.memory_space<hbm>> -> memref<1x32xf32, #tpu.memory_space<hbm>>
      %dma_wait3A_63 = tpu.memref_squeeze %dma_wait3A_62 : memref<1x32xf32, #tpu.memory_space<hbm>> -> memref<32xf32, #tpu.memory_space<hbm>>
      tpu.wait_dma2 semaphore(%run_scoped3A : memref<!tpu.dma_semaphore, #tpu.memory_space<semaphore_mem>>) src(%dma_wait3A_63 : memref<32xf32, #tpu.memory_space<hbm>>) dst(%arg17 : memref<32xf32, #tpu.memory_space<vmem>>)
      tpu.yield
    }) : () -> ()
    %barrier3A = arith.constant 0 : index
    tpu.barrier barrier_id(%barrier3A)
    %mul3A_14 = arith.constant 392 : i32
    %mul3A_15 = arith.muli %arg1, %mul3A_14 : i32
    %scan3A_16 = arith.constant 0 : i32
    %scan3A_17 = arith.constant 0 : i32
    %scan3A_18 = arith.constant 49 : i32
    %scan3A_19 = arith.addi %scan3A_17, %scan3A_18 : i32
    %scan3A_20 = arith.constant 1 : i32
    %scan3A_21 = scf.for %scan3A_54 = %scan3A_17 to %scan3A_19 step %scan3A_20 iter_args(%scan3A_55 = %scan3A_16) -> (i32)  : i32 {
      %mul3A_56 = arith.constant 8 : i32
      %mul3A_57 = arith.muli %scan3A_54, %mul3A_56 : i32
      %add3A = arith.addi %mul3A_15, %mul3A_57 : i32
      "tpu.region"() ({
        %run_scoped3A = tpu.sem_alloc : memref<!tpu.dma_semaphore, #tpu.memory_space<semaphore_mem>>
        %dma_start3A = arith.constant 0 : i32
        %dma_start3A_69 = tpu.memref_slice %arg3[%arg0, %add3A, %dma_start3A] : memref<2x6272x128xi32, #tpu.memory_space<hbm>> -> memref<1x8x128xi32, #tpu.memory_space<hbm>>
        %dma_start3A_70 = tpu.memref_squeeze %dma_start3A_69 : memref<1x8x128xi32, #tpu.memory_space<hbm>> -> memref<8x128xi32, #tpu.memory_space<hbm>>
        %dma_start3A_71 = arith.constant 0 : i32
        %dma_start3A_72 = tpu.memref_slice %arg3[%arg0, %add3A, %dma_start3A_71] : memref<2x6272x128xi32, #tpu.memory_space<hbm>> -> memref<1x8x128xi32, #tpu.memory_space<hbm>>
        %dma_start3A_73 = tpu.memref_squeeze %dma_start3A_72 : memref<1x8x128xi32, #tpu.memory_space<hbm>> -> memref<8x128xi32, #tpu.memory_space<hbm>>
        tpu.enqueue_dma source(%dma_start3A_73 : memref<8x128xi32, #tpu.memory_space<hbm>>) target(%arg9 : memref<8x128xi32, #tpu.memory_space<vmem>>) target_semaphore(%run_scoped3A : memref<!tpu.dma_semaphore, #tpu.memory_space<semaphore_mem>>)
        %dma_wait3A = arith.constant 0 : i32
        %dma_wait3A_74 = tpu.memref_slice %arg3[%arg0, %add3A, %dma_wait3A] : memref<2x6272x128xi32, #tpu.memory_space<hbm>> -> memref<1x8x128xi32, #tpu.memory_space<hbm>>
        %dma_wait3A_75 = tpu.memref_squeeze %dma_wait3A_74 : memref<1x8x128xi32, #tpu.memory_space<hbm>> -> memref<8x128xi32, #tpu.memory_space<hbm>>
        %dma_wait3A_76 = arith.constant 0 : i32
        %dma_wait3A_77 = tpu.memref_slice %arg3[%arg0, %add3A, %dma_wait3A_76] : memref<2x6272x128xi32, #tpu.memory_space<hbm>> -> memref<1x8x128xi32, #tpu.memory_space<hbm>>
        %dma_wait3A_78 = tpu.memref_squeeze %dma_wait3A_77 : memref<1x8x128xi32, #tpu.memory_space<hbm>> -> memref<8x128xi32, #tpu.memory_space<hbm>>
        tpu.wait_dma2 semaphore(%run_scoped3A : memref<!tpu.dma_semaphore, #tpu.memory_space<semaphore_mem>>) src(%dma_wait3A_78 : memref<8x128xi32, #tpu.memory_space<hbm>>) dst(%arg9 : memref<8x128xi32, #tpu.memory_space<vmem>>)
        tpu.yield
      }) : () -> ()
      %mul3A_58 = arith.constant 8 : i32
      %mul3A_59 = arith.muli %scan3A_54, %mul3A_58 : i32
      %add3A_60 = arith.addi %mul3A_15, %mul3A_59 : i32
      "tpu.region"() ({
        %run_scoped3A = tpu.sem_alloc : memref<!tpu.dma_semaphore, #tpu.memory_space<semaphore_mem>>
        %dma_start3A = arith.constant 0 : i32
        %dma_start3A_69 = tpu.memref_slice %arg4[%add3A_60, %dma_start3A] : memref<6272x128xi32, #tpu.memory_space<hbm>> -> memref<8x128xi32, #tpu.memory_space<hbm>>
        %dma_start3A_70 = arith.constant 0 : i32
        %dma_start3A_71 = tpu.memref_slice %arg4[%add3A_60, %dma_start3A_70] : memref<6272x128xi32, #tpu.memory_space<hbm>> -> memref<8x128xi32, #tpu.memory_space<hbm>>
        tpu.enqueue_dma source(%dma_start3A_71 : memref<8x128xi32, #tpu.memory_space<hbm>>) target(%arg10 : memref<8x128xi32, #tpu.memory_space<vmem>>) target_semaphore(%run_scoped3A : memref<!tpu.dma_semaphore, #tpu.memory_space<semaphore_mem>>)
        %dma_wait3A = arith.constant 0 : i32
        %dma_wait3A_72 = tpu.memref_slice %arg4[%add3A_60, %dma_wait3A] : memref<6272x128xi32, #tpu.memory_space<hbm>> -> memref<8x128xi32, #tpu.memory_space<hbm>>
        %dma_wait3A_73 = arith.constant 0 : i32
        %dma_wait3A_74 = tpu.memref_slice %arg4[%add3A_60, %dma_wait3A_73] : memref<6272x128xi32, #tpu.memory_space<hbm>> -> memref<8x128xi32, #tpu.memory_space<hbm>>
        tpu.wait_dma2 semaphore(%run_scoped3A : memref<!tpu.dma_semaphore, #tpu.memory_space<semaphore_mem>>) src(%dma_wait3A_74 : memref<8x128xi32, #tpu.memory_space<hbm>>) dst(%arg10 : memref<8x128xi32, #tpu.memory_space<vmem>>)
        tpu.yield
      }) : () -> ()
      %scan3A_61 = arith.constant 0 : i32
      %scan3A_62 = arith.constant 0 : i32
      %scan3A_63 = arith.constant 2 : i32
      %scan3A_64 = arith.addi %scan3A_62, %scan3A_63 : i32
      %scan3A_65 = arith.constant 1 : i32
      %scan3A_66 = scf.for %scan3A_69 = %scan3A_62 to %scan3A_64 step %scan3A_65 iter_args(%scan3A_70 = %scan3A_61) -> (i32)  : i32 {
        %mul3A_71 = arith.constant 4 : i32
        %mul3A_72 = arith.muli %mul3A_71, %scan3A_69 : i32
        %dma_start3A = arith.constant 0 : i32
        %dma_start3A_73 = tpu.memref_slice %arg9[%mul3A_72, %dma_start3A] : memref<8x128xi32, #tpu.memory_space<vmem>> -> memref<1x128xi32, #tpu.memory_space<vmem>>
        %dma_start3A_74 = tpu.memref_squeeze %dma_start3A_73 : memref<1x128xi32, #tpu.memory_space<vmem>> -> memref<128xi32, #tpu.memory_space<vmem>>
        %dma_start3A_75 = arith.constant 0 : i32
        %dma_start3A_76 = arith.constant 0 : i32
        %dma_start3A_77 = tpu.memref_slice %arg2[%dma_start3A_75, %dma_start3A_76] : memref<102400x32xf32, #tpu.memory_space<hbm>> -> memref<102400x32xf32, #tpu.memory_space<hbm>>
        tpu.enqueue_indirect_dma source(%dma_start3A_77 : memref<102400x32xf32, #tpu.memory_space<hbm>>) target(%arg11 : memref<128x32xf32, #tpu.memory_space<vmem>>) offsets(%dma_start3A_74 : memref<128xi32, #tpu.memory_space<vmem>>) semaphore(%arg18 : memref<!tpu.dma_semaphore, #tpu.memory_space<semaphore_mem>>)
        %add3A_78 = arith.constant 1 : i32
        %add3A_79 = arith.addi %mul3A_72, %add3A_78 : i32
        %dma_start3A_80 = arith.constant 0 : i32
        %dma_start3A_81 = tpu.memref_slice %arg9[%add3A_79, %dma_start3A_80] : memref<8x128xi32, #tpu.memory_space<vmem>> -> memref<1x128xi32, #tpu.memory_space<vmem>>
        %dma_start3A_82 = tpu.memref_squeeze %dma_start3A_81 : memref<1x128xi32, #tpu.memory_space<vmem>> -> memref<128xi32, #tpu.memory_space<vmem>>
        %dma_start3A_83 = arith.constant 0 : i32
        %dma_start3A_84 = arith.constant 0 : i32
        %dma_start3A_85 = tpu.memref_slice %arg2[%dma_start3A_83, %dma_start3A_84] : memref<102400x32xf32, #tpu.memory_space<hbm>> -> memref<102400x32xf32, #tpu.memory_space<hbm>>
        tpu.enqueue_indirect_dma source(%dma_start3A_85 : memref<102400x32xf32, #tpu.memory_space<hbm>>) target(%arg12 : memref<128x32xf32, #tpu.memory_space<vmem>>) offsets(%dma_start3A_82 : memref<128xi32, #tpu.memory_space<vmem>>) semaphore(%arg19 : memref<!tpu.dma_semaphore, #tpu.memory_space<semaphore_mem>>)
        %add3A_86 = arith.constant 2 : i32
        %add3A_87 = arith.addi %mul3A_72, %add3A_86 : i32
        %dma_start3A_88 = arith.constant 0 : i32
        %dma_start3A_89 = tpu.memref_slice %arg9[%add3A_87, %dma_start3A_88] : memref<8x128xi32, #tpu.memory_space<vmem>> -> memref<1x128xi32, #tpu.memory_space<vmem>>
        %dma_start3A_90 = tpu.memref_squeeze %dma_start3A_89 : memref<1x128xi32, #tpu.memory_space<vmem>> -> memref<128xi32, #tpu.memory_space<vmem>>
        %dma_start3A_91 = arith.constant 0 : i32
        %dma_start3A_92 = arith.constant 0 : i32
        %dma_start3A_93 = tpu.memref_slice %arg2[%dma_start3A_91, %dma_start3A_92] : memref<102400x32xf32, #tpu.memory_space<hbm>> -> memref<102400x32xf32, #tpu.memory_space<hbm>>
        tpu.enqueue_indirect_dma source(%dma_start3A_93 : memref<102400x32xf32, #tpu.memory_space<hbm>>) target(%arg13 : memref<128x32xf32, #tpu.memory_space<vmem>>) offsets(%dma_start3A_90 : memref<128xi32, #tpu.memory_space<vmem>>) semaphore(%arg20 : memref<!tpu.dma_semaphore, #tpu.memory_space<semaphore_mem>>)
        %add3A_94 = arith.constant 3 : i32
        %add3A_95 = arith.addi %mul3A_72, %add3A_94 : i32
        %dma_start3A_96 = arith.constant 0 : i32
        %dma_start3A_97 = tpu.memref_slice %arg9[%add3A_95, %dma_start3A_96] : memref<8x128xi32, #tpu.memory_space<vmem>> -> memref<1x128xi32, #tpu.memory_space<vmem>>
        %dma_start3A_98 = tpu.memref_squeeze %dma_start3A_97 : memref<1x128xi32, #tpu.memory_space<vmem>> -> memref<128xi32, #tpu.memory_space<vmem>>
        %dma_start3A_99 = arith.constant 0 : i32
        %dma_start3A_100 = arith.constant 0 : i32
        %dma_start3A_101 = tpu.memref_slice %arg2[%dma_start3A_99, %dma_start3A_100] : memref<102400x32xf32, #tpu.memory_space<hbm>> -> memref<102400x32xf32, #tpu.memory_space<hbm>>
        tpu.enqueue_indirect_dma source(%dma_start3A_101 : memref<102400x32xf32, #tpu.memory_space<hbm>>) target(%arg14 : memref<128x32xf32, #tpu.memory_space<vmem>>) offsets(%dma_start3A_98 : memref<128xi32, #tpu.memory_space<vmem>>) semaphore(%arg21 : memref<!tpu.dma_semaphore, #tpu.memory_space<semaphore_mem>>)
        %dma_wait3A = arith.constant 0 : i32
        %dma_wait3A_102 = tpu.memref_slice %arg9[%mul3A_72, %dma_wait3A] : memref<8x128xi32, #tpu.memory_space<vmem>> -> memref<1x128xi32, #tpu.memory_space<vmem>>
        %dma_wait3A_103 = tpu.memref_squeeze %dma_wait3A_102 : memref<1x128xi32, #tpu.memory_space<vmem>> -> memref<128xi32, #tpu.memory_space<vmem>>
        %dma_wait3A_104 = arith.constant 0 : i32
        %dma_wait3A_105 = arith.constant 0 : i32
        %dma_wait3A_106 = tpu.memref_slice %arg2[%dma_wait3A_104, %dma_wait3A_105] : memref<102400x32xf32, #tpu.memory_space<hbm>> -> memref<102400x32xf32, #tpu.memory_space<hbm>>
        tpu.wait_indirect_dma semaphore(%arg18 : memref<!tpu.dma_semaphore, #tpu.memory_space<semaphore_mem>>) src(%dma_wait3A_106 : memref<102400x32xf32, #tpu.memory_space<hbm>>) dst(%arg11 : memref<128x32xf32, #tpu.memory_space<vmem>>)
        %dma_start3A_107 = arith.constant 0 : i32
        %dma_start3A_108 = tpu.memref_slice %arg10[%mul3A_72, %dma_start3A_107] : memref<8x128xi32, #tpu.memory_space<vmem>> -> memref<1x128xi32, #tpu.memory_space<vmem>>
        %dma_start3A_109 = tpu.memref_squeeze %dma_start3A_108 : memref<1x128xi32, #tpu.memory_space<vmem>> -> memref<128xi32, #tpu.memory_space<vmem>>
        %dma_start3A_110 = arith.constant 0 : i32
        %dma_start3A_111 = arith.constant 0 : i32
        %dma_start3A_112 = tpu.memref_slice %arg8[%dma_start3A_110, %dma_start3A_111] : memref<51200x32xf32, #tpu.memory_space<vmem_shared>> -> memref<51200x32xf32, #tpu.memory_space<vmem_shared>>
        tpu.enqueue_indirect_dma source(%arg11 : memref<128x32xf32, #tpu.memory_space<vmem>>) target(%dma_start3A_112 : memref<51200x32xf32, #tpu.memory_space<vmem_shared>>) offsets(%dma_start3A_109 : memref<128xi32, #tpu.memory_space<vmem>>) semaphore(%arg22 : memref<!tpu.dma_semaphore, #tpu.memory_space<semaphore_mem>>) {add = true}
        %dma_wait3A_113 = arith.constant 0 : i32
        %dma_wait3A_114 = tpu.memref_slice %arg9[%add3A_79, %dma_wait3A_113] : memref<8x128xi32, #tpu.memory_space<vmem>> -> memref<1x128xi32, #tpu.memory_space<vmem>>
        %dma_wait3A_115 = tpu.memref_squeeze %dma_wait3A_114 : memref<1x128xi32, #tpu.memory_space<vmem>> -> memref<128xi32, #tpu.memory_space<vmem>>
        %dma_wait3A_116 = arith.constant 0 : i32
        %dma_wait3A_117 = arith.constant 0 : i32
        %dma_wait3A_118 = tpu.memref_slice %arg2[%dma_wait3A_116, %dma_wait3A_117] : memref<102400x32xf32, #tpu.memory_space<hbm>> -> memref<102400x32xf32, #tpu.memory_space<hbm>>
        tpu.wait_indirect_dma semaphore(%arg19 : memref<!tpu.dma_semaphore, #tpu.memory_space<semaphore_mem>>) src(%dma_wait3A_118 : memref<102400x32xf32, #tpu.memory_space<hbm>>) dst(%arg12 : memref<128x32xf32, #tpu.memory_space<vmem>>)
        %add3A_119 = arith.constant 1 : i32
        %add3A_120 = arith.addi %mul3A_72, %add3A_119 : i32
        %dma_start3A_121 = arith.constant 0 : i32
        %dma_start3A_122 = tpu.memref_slice %arg10[%add3A_120, %dma_start3A_121] : memref<8x128xi32, #tpu.memory_space<vmem>> -> memref<1x128xi32, #tpu.memory_space<vmem>>
        %dma_start3A_123 = tpu.memref_squeeze %dma_start3A_122 : memref<1x128xi32, #tpu.memory_space<vmem>> -> memref<128xi32, #tpu.memory_space<vmem>>
        %dma_start3A_124 = arith.constant 0 : i32
        %dma_start3A_125 = arith.constant 0 : i32
        %dma_start3A_126 = tpu.memref_slice %arg8[%dma_start3A_124, %dma_start3A_125] : memref<51200x32xf32, #tpu.memory_space<vmem_shared>> -> memref<51200x32xf32, #tpu.memory_space<vmem_shared>>
        tpu.enqueue_indirect_dma source(%arg12 : memref<128x32xf32, #tpu.memory_space<vmem>>) target(%dma_start3A_126 : memref<51200x32xf32, #tpu.memory_space<vmem_shared>>) offsets(%dma_start3A_123 : memref<128xi32, #tpu.memory_space<vmem>>) semaphore(%arg23 : memref<!tpu.dma_semaphore, #tpu.memory_space<semaphore_mem>>) {add = true}
        %dma_wait3A_127 = arith.constant 0 : i32
        %dma_wait3A_128 = tpu.memref_slice %arg9[%add3A_87, %dma_wait3A_127] : memref<8x128xi32, #tpu.memory_space<vmem>> -> memref<1x128xi32, #tpu.memory_space<vmem>>
        %dma_wait3A_129 = tpu.memref_squeeze %dma_wait3A_128 : memref<1x128xi32, #tpu.memory_space<vmem>> -> memref<128xi32, #tpu.memory_space<vmem>>
        %dma_wait3A_130 = arith.constant 0 : i32
        %dma_wait3A_131 = arith.constant 0 : i32
        %dma_wait3A_132 = tpu.memref_slice %arg2[%dma_wait3A_130, %dma_wait3A_131] : memref<102400x32xf32, #tpu.memory_space<hbm>> -> memref<102400x32xf32, #tpu.memory_space<hbm>>
        tpu.wait_indirect_dma semaphore(%arg20 : memref<!tpu.dma_semaphore, #tpu.memory_space<semaphore_mem>>) src(%dma_wait3A_132 : memref<102400x32xf32, #tpu.memory_space<hbm>>) dst(%arg13 : memref<128x32xf32, #tpu.memory_space<vmem>>)
        %add3A_133 = arith.constant 2 : i32
        %add3A_134 = arith.addi %mul3A_72, %add3A_133 : i32
        %dma_start3A_135 = arith.constant 0 : i32
        %dma_start3A_136 = tpu.memref_slice %arg10[%add3A_134, %dma_start3A_135] : memref<8x128xi32, #tpu.memory_space<vmem>> -> memref<1x128xi32, #tpu.memory_space<vmem>>
        %dma_start3A_137 = tpu.memref_squeeze %dma_start3A_136 : memref<1x128xi32, #tpu.memory_space<vmem>> -> memref<128xi32, #tpu.memory_space<vmem>>
        %dma_start3A_138 = arith.constant 0 : i32
        %dma_start3A_139 = arith.constant 0 : i32
        %dma_start3A_140 = tpu.memref_slice %arg8[%dma_start3A_138, %dma_start3A_139] : memref<51200x32xf32, #tpu.memory_space<vmem_shared>> -> memref<51200x32xf32, #tpu.memory_space<vmem_shared>>
        tpu.enqueue_indirect_dma source(%arg13 : memref<128x32xf32, #tpu.memory_space<vmem>>) target(%dma_start3A_140 : memref<51200x32xf32, #tpu.memory_space<vmem_shared>>) offsets(%dma_start3A_137 : memref<128xi32, #tpu.memory_space<vmem>>) semaphore(%arg24 : memref<!tpu.dma_semaphore, #tpu.memory_space<semaphore_mem>>) {add = true}
        %dma_wait3A_141 = arith.constant 0 : i32
        %dma_wait3A_142 = tpu.memref_slice %arg9[%add3A_95, %dma_wait3A_141] : memref<8x128xi32, #tpu.memory_space<vmem>> -> memref<1x128xi32, #tpu.memory_space<vmem>>
        %dma_wait3A_143 = tpu.memref_squeeze %dma_wait3A_142 : memref<1x128xi32, #tpu.memory_space<vmem>> -> memref<128xi32, #tpu.memory_space<vmem>>
        %dma_wait3A_144 = arith.constant 0 : i32
        %dma_wait3A_145 = arith.constant 0 : i32
        %dma_wait3A_146 = tpu.memref_slice %arg2[%dma_wait3A_144, %dma_wait3A_145] : memref<102400x32xf32, #tpu.memory_space<hbm>> -> memref<102400x32xf32, #tpu.memory_space<hbm>>
        tpu.wait_indirect_dma semaphore(%arg21 : memref<!tpu.dma_semaphore, #tpu.memory_space<semaphore_mem>>) src(%dma_wait3A_146 : memref<102400x32xf32, #tpu.memory_space<hbm>>) dst(%arg14 : memref<128x32xf32, #tpu.memory_space<vmem>>)
        %add3A_147 = arith.constant 3 : i32
        %add3A_148 = arith.addi %mul3A_72, %add3A_147 : i32
        %dma_start3A_149 = arith.constant 0 : i32
        %dma_start3A_150 = tpu.memref_slice %arg10[%add3A_148, %dma_start3A_149] : memref<8x128xi32, #tpu.memory_space<vmem>> -> memref<1x128xi32, #tpu.memory_space<vmem>>
        %dma_start3A_151 = tpu.memref_squeeze %dma_start3A_150 : memref<1x128xi32, #tpu.memory_space<vmem>> -> memref<128xi32, #tpu.memory_space<vmem>>
        %dma_start3A_152 = arith.constant 0 : i32
        %dma_start3A_153 = arith.constant 0 : i32
        %dma_start3A_154 = tpu.memref_slice %arg8[%dma_start3A_152, %dma_start3A_153] : memref<51200x32xf32, #tpu.memory_space<vmem_shared>> -> memref<51200x32xf32, #tpu.memory_space<vmem_shared>>
        tpu.enqueue_indirect_dma source(%arg14 : memref<128x32xf32, #tpu.memory_space<vmem>>) target(%dma_start3A_154 : memref<51200x32xf32, #tpu.memory_space<vmem_shared>>) offsets(%dma_start3A_151 : memref<128xi32, #tpu.memory_space<vmem>>) semaphore(%arg25 : memref<!tpu.dma_semaphore, #tpu.memory_space<semaphore_mem>>) {add = true}
        %dma_wait3A_155 = arith.constant 0 : i32
        %dma_wait3A_156 = tpu.memref_slice %arg10[%mul3A_72, %dma_wait3A_155] : memref<8x128xi32, #tpu.memory_space<vmem>> -> memref<1x128xi32, #tpu.memory_space<vmem>>
        %dma_wait3A_157 = tpu.memref_squeeze %dma_wait3A_156 : memref<1x128xi32, #tpu.memory_space<vmem>> -> memref<128xi32, #tpu.memory_space<vmem>>
        %dma_wait3A_158 = arith.constant 0 : i32
        %dma_wait3A_159 = arith.constant 0 : i32
        %dma_wait3A_160 = tpu.memref_slice %arg8[%dma_wait3A_158, %dma_wait3A_159] : memref<51200x32xf32, #tpu.memory_space<vmem_shared>> -> memref<51200x32xf32, #tpu.memory_space<vmem_shared>>
        tpu.wait_indirect_dma semaphore(%arg22 : memref<!tpu.dma_semaphore, #tpu.memory_space<semaphore_mem>>) src(%arg11 : memref<128x32xf32, #tpu.memory_space<vmem>>) dst(%dma_wait3A_160 : memref<51200x32xf32, #tpu.memory_space<vmem_shared>>)
        %dma_wait3A_161 = arith.constant 0 : i32
        %dma_wait3A_162 = tpu.memref_slice %arg10[%add3A_120, %dma_wait3A_161] : memref<8x128xi32, #tpu.memory_space<vmem>> -> memref<1x128xi32, #tpu.memory_space<vmem>>
        %dma_wait3A_163 = tpu.memref_squeeze %dma_wait3A_162 : memref<1x128xi32, #tpu.memory_space<vmem>> -> memref<128xi32, #tpu.memory_space<vmem>>
        %dma_wait3A_164 = arith.constant 0 : i32
        %dma_wait3A_165 = arith.constant 0 : i32
        %dma_wait3A_166 = tpu.memref_slice %arg8[%dma_wait3A_164, %dma_wait3A_165] : memref<51200x32xf32, #tpu.memory_space<vmem_shared>> -> memref<51200x32xf32, #tpu.memory_space<vmem_shared>>
        tpu.wait_indirect_dma semaphore(%arg23 : memref<!tpu.dma_semaphore, #tpu.memory_space<semaphore_mem>>) src(%arg12 : memref<128x32xf32, #tpu.memory_space<vmem>>) dst(%dma_wait3A_166 : memref<51200x32xf32, #tpu.memory_space<vmem_shared>>)
        %dma_wait3A_167 = arith.constant 0 : i32
        %dma_wait3A_168 = tpu.memref_slice %arg10[%add3A_134, %dma_wait3A_167] : memref<8x128xi32, #tpu.memory_space<vmem>> -> memref<1x128xi32, #tpu.memory_space<vmem>>
        %dma_wait3A_169 = tpu.memref_squeeze %dma_wait3A_168 : memref<1x128xi32, #tpu.memory_space<vmem>> -> memref<128xi32, #tpu.memory_space<vmem>>
        %dma_wait3A_170 = arith.constant 0 : i32
        %dma_wait3A_171 = arith.constant 0 : i32
        %dma_wait3A_172 = tpu.memref_slice %arg8[%dma_wait3A_170, %dma_wait3A_171] : memref<51200x32xf32, #tpu.memory_space<vmem_shared>> -> memref<51200x32xf32, #tpu.memory_space<vmem_shared>>
        tpu.wait_indirect_dma semaphore(%arg24 : memref<!tpu.dma_semaphore, #tpu.memory_space<semaphore_mem>>) src(%arg13 : memref<128x32xf32, #tpu.memory_space<vmem>>) dst(%dma_wait3A_172 : memref<51200x32xf32, #tpu.memory_space<vmem_shared>>)
        %dma_wait3A_173 = arith.constant 0 : i32
        %dma_wait3A_174 = tpu.memref_slice %arg10[%add3A_148, %dma_wait3A_173] : memref<8x128xi32, #tpu.memory_space<vmem>> -> memref<1x128xi32, #tpu.memory_space<vmem>>
        %dma_wait3A_175 = tpu.memref_squeeze %dma_wait3A_174 : memref<1x128xi32, #tpu.memory_space<vmem>> -> memref<128xi32, #tpu.memory_space<vmem>>
        %dma_wait3A_176 = arith.constant 0 : i32
        %dma_wait3A_177 = arith.constant 0 : i32
        %dma_wait3A_178 = tpu.memref_slice %arg8[%dma_wait3A_176, %dma_wait3A_177] : memref<51200x32xf32, #tpu.memory_space<vmem_shared>> -> memref<51200x32xf32, #tpu.memory_space<vmem_shared>>
        tpu.wait_indirect_dma semaphore(%arg25 : memref<!tpu.dma_semaphore, #tpu.memory_space<semaphore_mem>>) src(%arg14 : memref<128x32xf32, #tpu.memory_space<vmem>>) dst(%dma_wait3A_178 : memref<51200x32xf32, #tpu.memory_space<vmem_shared>>)
        %scan3A_179 = arith.constant 0 : i32
        scf.yield %scan3A_179 : i32
      }
      %scan3A_67 = arith.constant 2 : i32
      %scan3A_68 = arith.constant 0 : i32
      scf.yield %scan3A_68 : i32
    }
    %scan3A_22 = arith.constant 49 : i32
    %barrier3A_23 = arith.constant 0 : index
    tpu.barrier barrier_id(%barrier3A_23)
    %get3A = arith.constant 0 : index
    %get3A_24 = tpu.vector_load %arg17[%get3A] {strides = array<i32>} : memref<32xf32, #tpu.memory_space<vmem>>, vector<16xf32>,
    %get3A_25 = vector.shape_cast %get3A_24 : vector<16xf32> to vector<16xf32>
    %get3A_26 = arith.constant 16 : index
    %get3A_27 = tpu.vector_load %arg17[%get3A_26] {strides = array<i32>} : memref<32xf32, #tpu.memory_space<vmem>>, vector<16xf32>,
    %get3A_28 = vector.shape_cast %get3A_27 : vector<16xf32> to vector<16xf32>
    %scan3A_29 = arith.constant 0 : i32
    %scan3A_30 = arith.constant 0 : i32
    %scan3A_31 = arith.constant 25 : i32
    %scan3A_32 = arith.addi %scan3A_30, %scan3A_31 : i32
    %scan3A_33 = arith.constant 1 : i32
    %scan3A_34 = scf.for %scan3A_54 = %scan3A_30 to %scan3A_32 step %scan3A_33 iter_args(%scan3A_55 = %scan3A_29) -> (i32)  : i32 {
      %mul3A_56 = arith.constant 128 : i32
      %mul3A_57 = arith.muli %scan3A_54, %mul3A_56 : i32
      %add3A = arith.addi %mul3A_6, %mul3A_57 : i32
      "tpu.region"() ({
        %run_scoped3A = tpu.sem_alloc : memref<!tpu.dma_semaphore, #tpu.memory_space<semaphore_mem>>
        %dma_start3A = arith.constant 0 : i32
        %dma_start3A_69 = tpu.memref_slice %arg8[%add3A, %dma_start3A] : memref<51200x32xf32, #tpu.memory_space<vmem_shared>> -> memref<128x32xf32, #tpu.memory_space<vmem_shared>>
        %dma_start3A_70 = arith.constant 0 : i32
        %dma_start3A_71 = tpu.memref_slice %arg8[%add3A, %dma_start3A_70] : memref<51200x32xf32, #tpu.memory_space<vmem_shared>> -> memref<128x32xf32, #tpu.memory_space<vmem_shared>>
        tpu.enqueue_dma source(%dma_start3A_71 : memref<128x32xf32, #tpu.memory_space<vmem_shared>>) target(%arg16 : memref<128x32xf32, #tpu.memory_space<vmem>>) target_semaphore(%run_scoped3A : memref<!tpu.dma_semaphore, #tpu.memory_space<semaphore_mem>>)
        %dma_wait3A = arith.constant 0 : i32
        %dma_wait3A_72 = tpu.memref_slice %arg8[%add3A, %dma_wait3A] : memref<51200x32xf32, #tpu.memory_space<vmem_shared>> -> memref<128x32xf32, #tpu.memory_space<vmem_shared>>
        %dma_wait3A_73 = arith.constant 0 : i32
        %dma_wait3A_74 = tpu.memref_slice %arg8[%add3A, %dma_wait3A_73] : memref<51200x32xf32, #tpu.memory_space<vmem_shared>> -> memref<128x32xf32, #tpu.memory_space<vmem_shared>>
        tpu.wait_dma2 semaphore(%run_scoped3A : memref<!tpu.dma_semaphore, #tpu.memory_space<semaphore_mem>>) src(%dma_wait3A_74 : memref<128x32xf32, #tpu.memory_space<vmem_shared>>) dst(%arg16 : memref<128x32xf32, #tpu.memory_space<vmem>>)
        tpu.yield
      }) : () -> ()
      "tpu.region"() ({
        %run_scoped3A = tpu.sem_alloc : memref<!tpu.dma_semaphore, #tpu.memory_space<semaphore_mem>>
        %dma_start3A = arith.constant 0 : i32
        %dma_start3A_69 = tpu.memref_slice %arg8[%add3A, %dma_start3A] : memref<51200x32xf32, #tpu.memory_space<vmem_shared>> -> memref<128x32xf32, #tpu.memory_space<vmem_shared>>
        %dma_start3A_70 = arith.constant 0 : i32
        %dma_start3A_71 = tpu.memref_slice %arg8[%add3A, %dma_start3A_70] : memref<51200x32xf32, #tpu.memory_space<vmem_shared>> -> memref<128x32xf32, #tpu.memory_space<vmem_shared>>
        tpu.enqueue_dma source(%arg15 : memref<128x32xf32, #tpu.memory_space<vmem>>) target(%dma_start3A_71 : memref<128x32xf32, #tpu.memory_space<vmem_shared>>) target_semaphore(%run_scoped3A : memref<!tpu.dma_semaphore, #tpu.memory_space<semaphore_mem>>)
        %dma_wait3A = arith.constant 0 : i32
        %dma_wait3A_72 = tpu.memref_slice %arg8[%add3A, %dma_wait3A] : memref<51200x32xf32, #tpu.memory_space<vmem_shared>> -> memref<128x32xf32, #tpu.memory_space<vmem_shared>>
        %dma_wait3A_73 = arith.constant 0 : i32
        %dma_wait3A_74 = tpu.memref_slice %arg8[%add3A, %dma_wait3A_73] : memref<51200x32xf32, #tpu.memory_space<vmem_shared>> -> memref<128x32xf32, #tpu.memory_space<vmem_shared>>
        tpu.wait_dma2 semaphore(%run_scoped3A : memref<!tpu.dma_semaphore, #tpu.memory_space<semaphore_mem>>) src(%arg15 : memref<128x32xf32, #tpu.memory_space<vmem>>) dst(%dma_wait3A_74 : memref<128x32xf32, #tpu.memory_space<vmem_shared>>)
        tpu.yield
      }) : () -> ()
      %scan3A_58 = arith.constant 0 : i32
      %scan3A_59 = arith.constant 0 : i32
      %scan3A_60 = arith.constant 128 : i32
      %scan3A_61 = arith.addi %scan3A_59, %scan3A_60 : i32
      %scan3A_62 = arith.constant 1 : i32
      %scan3A_63 = scf.for %scan3A_69 = %scan3A_59 to %scan3A_61 step %scan3A_62 iter_args(%scan3A_70 = %scan3A_58) -> (i32)  : i32 {
        %get3A_71 = arith.index_cast %scan3A_69 : i32 to index
        %get3A_72 = arith.constant 0 : index
        %get3A_73 = tpu.vector_load %arg16[%get3A_71, %get3A_72] {strides = array<i32>} : memref<128x32xf32, #tpu.memory_space<vmem>>, vector<1x16xf32>,
        %get3A_74 = vector.shape_cast %get3A_73 : vector<1x16xf32> to vector<16xf32>
        %add3A_75 = arith.addf %get3A_74, %get3A_25 : vector<16xf32>
        %max3A = arith.constant 0.000000e+00 : f32
        %max3A_76 = vector.broadcast %max3A : f32 to vector<16xf32>
        %max3A_77 = arith.maximumf %add3A_75, %max3A_76 : vector<16xf32>
        %swap3A = arith.index_cast %scan3A_69 : i32 to index
        %swap3A_78 = arith.constant 0 : index
        %swap3A_79 = tpu.vector_load %arg16[%swap3A, %swap3A_78] {strides = array<i32>} : memref<128x32xf32, #tpu.memory_space<vmem>>, vector<1x16xf32>,
        %swap3A_80 = vector.shape_cast %swap3A_79 : vector<1x16xf32> to vector<16xf32>
        %swap3A_81 = vector.shape_cast %max3A_77 : vector<16xf32> to vector<1x16xf32>
        tpu.vector_store %arg16[%swap3A, %swap3A_78], %swap3A_81 {strides = array<i32>} : memref<128x32xf32, #tpu.memory_space<vmem>>, vector<1x16xf32>,
        %get3A_82 = arith.index_cast %scan3A_69 : i32 to index
        %get3A_83 = arith.constant 16 : index
        %get3A_84 = tpu.vector_load %arg16[%get3A_82, %get3A_83] {strides = array<i32>} : memref<128x32xf32, #tpu.memory_space<vmem>>, vector<1x16xf32>,
        %get3A_85 = vector.shape_cast %get3A_84 : vector<1x16xf32> to vector<16xf32>
        %add3A_86 = arith.addf %get3A_85, %get3A_28 : vector<16xf32>
        %max3A_87 = arith.constant 0.000000e+00 : f32
        %max3A_88 = vector.broadcast %max3A_87 : f32 to vector<16xf32>
        %max3A_89 = arith.maximumf %add3A_86, %max3A_88 : vector<16xf32>
        %swap3A_90 = arith.index_cast %scan3A_69 : i32 to index
        %swap3A_91 = arith.constant 16 : index
        %swap3A_92 = tpu.vector_load %arg16[%swap3A_90, %swap3A_91] {strides = array<i32>} : memref<128x32xf32, #tpu.memory_space<vmem>>, vector<1x16xf32>,
        %swap3A_93 = vector.shape_cast %swap3A_92 : vector<1x16xf32> to vector<16xf32>
        %swap3A_94 = vector.shape_cast %max3A_89 : vector<16xf32> to vector<1x16xf32>
        tpu.vector_store %arg16[%swap3A_90, %swap3A_91], %swap3A_94 {strides = array<i32>} : memref<128x32xf32, #tpu.memory_space<vmem>>, vector<1x16xf32>,
        %scan3A_95 = arith.constant 0 : i32
        scf.yield %scan3A_95 : i32
      }
      %scan3A_64 = arith.constant 128 : i32
      %mul3A_65 = arith.constant 51200 : i32
      %mul3A_66 = arith.muli %arg0, %mul3A_65 : i32
      %add3A_67 = arith.addi %mul3A_66, %add3A : i32
      "tpu.region"() ({
        %run_scoped3A = tpu.sem_alloc : memref<!tpu.dma_semaphore, #tpu.memory_space<semaphore_mem>>
        %dma_start3A = arith.constant 0 : i32
        %dma_start3A_69 = tpu.memref_slice %arg6[%add3A_67, %dma_start3A] : memref<102400x32xf32, #tpu.memory_space<hbm>> -> memref<128x32xf32, #tpu.memory_space<hbm>>
        %dma_start3A_70 = arith.constant 0 : i32
        %dma_start3A_71 = tpu.memref_slice %arg6[%add3A_67, %dma_start3A_70] : memref<102400x32xf32, #tpu.memory_space<hbm>> -> memref<128x32xf32, #tpu.memory_space<hbm>>
        tpu.enqueue_dma source(%arg16 : memref<128x32xf32, #tpu.memory_space<vmem>>) target(%dma_start3A_71 : memref<128x32xf32, #tpu.memory_space<hbm>>) target_semaphore(%run_scoped3A : memref<!tpu.dma_semaphore, #tpu.memory_space<semaphore_mem>>)
        %dma_wait3A = arith.constant 0 : i32
        %dma_wait3A_72 = tpu.memref_slice %arg6[%add3A_67, %dma_wait3A] : memref<102400x32xf32, #tpu.memory_space<hbm>> -> memref<128x32xf32, #tpu.memory_space<hbm>>
        %dma_wait3A_73 = arith.constant 0 : i32
        %dma_wait3A_74 = tpu.memref_slice %arg6[%add3A_67, %dma_wait3A_73] : memref<102400x32xf32, #tpu.memory_space<hbm>> -> memref<128x32xf32, #tpu.memory_space<hbm>>
        tpu.wait_dma2 semaphore(%run_scoped3A : memref<!tpu.dma_semaphore, #tpu.memory_space<semaphore_mem>>) src(%arg16 : memref<128x32xf32, #tpu.memory_space<vmem>>) dst(%dma_wait3A_74 : memref<128x32xf32, #tpu.memory_space<hbm>>)
        tpu.yield
      }) : () -> ()
      %scan3A_68 = arith.constant 0 : i32
      scf.yield %scan3A_68 : i32
    }
    %scan3A_35 = arith.constant 25 : i32
    %barrier3A_36 = arith.constant 0 : index
    tpu.barrier barrier_id(%barrier3A_36)
    %mul3A_37 = arith.constant 392 : i32
    %mul3A_38 = arith.muli %arg1, %mul3A_37 : i32
    %scan3A_39 = arith.constant 0 : i32
    %scan3A_40 = arith.constant 0 : i32
    %scan3A_41 = arith.constant 49 : i32
    %scan3A_42 = arith.addi %scan3A_40, %scan3A_41 : i32
    %scan3A_43 = arith.constant 1 : i32
    %scan3A_44 = scf.for %scan3A_54 = %scan3A_40 to %scan3A_42 step %scan3A_43 iter_args(%scan3A_55 = %scan3A_39) -> (i32)  : i32 {
      %mul3A_56 = arith.constant 8 : i32
      %mul3A_57 = arith.muli %scan3A_54, %mul3A_56 : i32
      %add3A = arith.addi %mul3A_38, %mul3A_57 : i32
      "tpu.region"() ({
        %run_scoped3A = tpu.sem_alloc : memref<!tpu.dma_semaphore, #tpu.memory_space<semaphore_mem>>
        %dma_start3A = arith.constant 0 : i32
        %dma_start3A_69 = tpu.memref_slice %arg3[%arg0, %add3A, %dma_start3A] : memref<2x6272x128xi32, #tpu.memory_space<hbm>> -> memref<1x8x128xi32, #tpu.memory_space<hbm>>
        %dma_start3A_70 = tpu.memref_squeeze %dma_start3A_69 : memref<1x8x128xi32, #tpu.memory_space<hbm>> -> memref<8x128xi32, #tpu.memory_space<hbm>>
        %dma_start3A_71 = arith.constant 0 : i32
        %dma_start3A_72 = tpu.memref_slice %arg3[%arg0, %add3A, %dma_start3A_71] : memref<2x6272x128xi32, #tpu.memory_space<hbm>> -> memref<1x8x128xi32, #tpu.memory_space<hbm>>
        %dma_start3A_73 = tpu.memref_squeeze %dma_start3A_72 : memref<1x8x128xi32, #tpu.memory_space<hbm>> -> memref<8x128xi32, #tpu.memory_space<hbm>>
        tpu.enqueue_dma source(%dma_start3A_73 : memref<8x128xi32, #tpu.memory_space<hbm>>) target(%arg9 : memref<8x128xi32, #tpu.memory_space<vmem>>) target_semaphore(%run_scoped3A : memref<!tpu.dma_semaphore, #tpu.memory_space<semaphore_mem>>)
        %dma_wait3A = arith.constant 0 : i32
        %dma_wait3A_74 = tpu.memref_slice %arg3[%arg0, %add3A, %dma_wait3A] : memref<2x6272x128xi32, #tpu.memory_space<hbm>> -> memref<1x8x128xi32, #tpu.memory_space<hbm>>
        %dma_wait3A_75 = tpu.memref_squeeze %dma_wait3A_74 : memref<1x8x128xi32, #tpu.memory_space<hbm>> -> memref<8x128xi32, #tpu.memory_space<hbm>>
        %dma_wait3A_76 = arith.constant 0 : i32
        %dma_wait3A_77 = tpu.memref_slice %arg3[%arg0, %add3A, %dma_wait3A_76] : memref<2x6272x128xi32, #tpu.memory_space<hbm>> -> memref<1x8x128xi32, #tpu.memory_space<hbm>>
        %dma_wait3A_78 = tpu.memref_squeeze %dma_wait3A_77 : memref<1x8x128xi32, #tpu.memory_space<hbm>> -> memref<8x128xi32, #tpu.memory_space<hbm>>
        tpu.wait_dma2 semaphore(%run_scoped3A : memref<!tpu.dma_semaphore, #tpu.memory_space<semaphore_mem>>) src(%dma_wait3A_78 : memref<8x128xi32, #tpu.memory_space<hbm>>) dst(%arg9 : memref<8x128xi32, #tpu.memory_space<vmem>>)
        tpu.yield
      }) : () -> ()
      %mul3A_58 = arith.constant 8 : i32
      %mul3A_59 = arith.muli %scan3A_54, %mul3A_58 : i32
      %add3A_60 = arith.addi %mul3A_38, %mul3A_59 : i32
      "tpu.region"() ({
        %run_scoped3A = tpu.sem_alloc : memref<!tpu.dma_semaphore, #tpu.memory_space<semaphore_mem>>
        %dma_start3A = arith.constant 0 : i32
        %dma_start3A_69 = tpu.memref_slice %arg4[%add3A_60, %dma_start3A] : memref<6272x128xi32, #tpu.memory_space<hbm>> -> memref<8x128xi32, #tpu.memory_space<hbm>>
        %dma_start3A_70 = arith.constant 0 : i32
        %dma_start3A_71 = tpu.memref_slice %arg4[%add3A_60, %dma_start3A_70] : memref<6272x128xi32, #tpu.memory_space<hbm>> -> memref<8x128xi32, #tpu.memory_space<hbm>>
        tpu.enqueue_dma source(%dma_start3A_71 : memref<8x128xi32, #tpu.memory_space<hbm>>) target(%arg10 : memref<8x128xi32, #tpu.memory_space<vmem>>) target_semaphore(%run_scoped3A : memref<!tpu.dma_semaphore, #tpu.memory_space<semaphore_mem>>)
        %dma_wait3A = arith.constant 0 : i32
        %dma_wait3A_72 = tpu.memref_slice %arg4[%add3A_60, %dma_wait3A] : memref<6272x128xi32, #tpu.memory_space<hbm>> -> memref<8x128xi32, #tpu.memory_space<hbm>>
        %dma_wait3A_73 = arith.constant 0 : i32
        %dma_wait3A_74 = tpu.memref_slice %arg4[%add3A_60, %dma_wait3A_73] : memref<6272x128xi32, #tpu.memory_space<hbm>> -> memref<8x128xi32, #tpu.memory_space<hbm>>
        tpu.wait_dma2 semaphore(%run_scoped3A : memref<!tpu.dma_semaphore, #tpu.memory_space<semaphore_mem>>) src(%dma_wait3A_74 : memref<8x128xi32, #tpu.memory_space<hbm>>) dst(%arg10 : memref<8x128xi32, #tpu.memory_space<vmem>>)
        tpu.yield
      }) : () -> ()
      %scan3A_61 = arith.constant 0 : i32
      %scan3A_62 = arith.constant 0 : i32
      %scan3A_63 = arith.constant 2 : i32
      %scan3A_64 = arith.addi %scan3A_62, %scan3A_63 : i32
      %scan3A_65 = arith.constant 1 : i32
      %scan3A_66 = scf.for %scan3A_69 = %scan3A_62 to %scan3A_64 step %scan3A_65 iter_args(%scan3A_70 = %scan3A_61) -> (i32)  : i32 {
        %mul3A_71 = arith.constant 4 : i32
        %mul3A_72 = arith.muli %mul3A_71, %scan3A_69 : i32
        %dma_start3A = arith.constant 0 : i32
        %dma_start3A_73 = tpu.memref_slice %arg9[%mul3A_72, %dma_start3A] : memref<8x128xi32, #tpu.memory_space<vmem>> -> memref<1x128xi32, #tpu.memory_space<vmem>>
        %dma_start3A_74 = tpu.memref_squeeze %dma_start3A_73 : memref<1x128xi32, #tpu.memory_space<vmem>> -> memref<128xi32, #tpu.memory_space<vmem>>
        %dma_start3A_75 = arith.constant 0 : i32
        %dma_start3A_76 = arith.constant 0 : i32
        %dma_start3A_77 = tpu.memref_slice %arg6[%dma_start3A_75, %dma_start3A_76] : memref<102400x32xf32, #tpu.memory_space<hbm>> -> memref<102400x32xf32, #tpu.memory_space<hbm>>
        tpu.enqueue_indirect_dma source(%dma_start3A_77 : memref<102400x32xf32, #tpu.memory_space<hbm>>) target(%arg11 : memref<128x32xf32, #tpu.memory_space<vmem>>) offsets(%dma_start3A_74 : memref<128xi32, #tpu.memory_space<vmem>>) semaphore(%arg18 : memref<!tpu.dma_semaphore, #tpu.memory_space<semaphore_mem>>)
        %add3A_78 = arith.constant 1 : i32
        %add3A_79 = arith.addi %mul3A_72, %add3A_78 : i32
        %dma_start3A_80 = arith.constant 0 : i32
        %dma_start3A_81 = tpu.memref_slice %arg9[%add3A_79, %dma_start3A_80] : memref<8x128xi32, #tpu.memory_space<vmem>> -> memref<1x128xi32, #tpu.memory_space<vmem>>
        %dma_start3A_82 = tpu.memref_squeeze %dma_start3A_81 : memref<1x128xi32, #tpu.memory_space<vmem>> -> memref<128xi32, #tpu.memory_space<vmem>>
        %dma_start3A_83 = arith.constant 0 : i32
        %dma_start3A_84 = arith.constant 0 : i32
        %dma_start3A_85 = tpu.memref_slice %arg6[%dma_start3A_83, %dma_start3A_84] : memref<102400x32xf32, #tpu.memory_space<hbm>> -> memref<102400x32xf32, #tpu.memory_space<hbm>>
        tpu.enqueue_indirect_dma source(%dma_start3A_85 : memref<102400x32xf32, #tpu.memory_space<hbm>>) target(%arg12 : memref<128x32xf32, #tpu.memory_space<vmem>>) offsets(%dma_start3A_82 : memref<128xi32, #tpu.memory_space<vmem>>) semaphore(%arg19 : memref<!tpu.dma_semaphore, #tpu.memory_space<semaphore_mem>>)
        %add3A_86 = arith.constant 2 : i32
        %add3A_87 = arith.addi %mul3A_72, %add3A_86 : i32
        %dma_start3A_88 = arith.constant 0 : i32
        %dma_start3A_89 = tpu.memref_slice %arg9[%add3A_87, %dma_start3A_88] : memref<8x128xi32, #tpu.memory_space<vmem>> -> memref<1x128xi32, #tpu.memory_space<vmem>>
        %dma_start3A_90 = tpu.memref_squeeze %dma_start3A_89 : memref<1x128xi32, #tpu.memory_space<vmem>> -> memref<128xi32, #tpu.memory_space<vmem>>
        %dma_start3A_91 = arith.constant 0 : i32
        %dma_start3A_92 = arith.constant 0 : i32
        %dma_start3A_93 = tpu.memref_slice %arg6[%dma_start3A_91, %dma_start3A_92] : memref<102400x32xf32, #tpu.memory_space<hbm>> -> memref<102400x32xf32, #tpu.memory_space<hbm>>
        tpu.enqueue_indirect_dma source(%dma_start3A_93 : memref<102400x32xf32, #tpu.memory_space<hbm>>) target(%arg13 : memref<128x32xf32, #tpu.memory_space<vmem>>) offsets(%dma_start3A_90 : memref<128xi32, #tpu.memory_space<vmem>>) semaphore(%arg20 : memref<!tpu.dma_semaphore, #tpu.memory_space<semaphore_mem>>)
        %add3A_94 = arith.constant 3 : i32
        %add3A_95 = arith.addi %mul3A_72, %add3A_94 : i32
        %dma_start3A_96 = arith.constant 0 : i32
        %dma_start3A_97 = tpu.memref_slice %arg9[%add3A_95, %dma_start3A_96] : memref<8x128xi32, #tpu.memory_space<vmem>> -> memref<1x128xi32, #tpu.memory_space<vmem>>
        %dma_start3A_98 = tpu.memref_squeeze %dma_start3A_97 : memref<1x128xi32, #tpu.memory_space<vmem>> -> memref<128xi32, #tpu.memory_space<vmem>>
        %dma_start3A_99 = arith.constant 0 : i32
        %dma_start3A_100 = arith.constant 0 : i32
        %dma_start3A_101 = tpu.memref_slice %arg6[%dma_start3A_99, %dma_start3A_100] : memref<102400x32xf32, #tpu.memory_space<hbm>> -> memref<102400x32xf32, #tpu.memory_space<hbm>>
        tpu.enqueue_indirect_dma source(%dma_start3A_101 : memref<102400x32xf32, #tpu.memory_space<hbm>>) target(%arg14 : memref<128x32xf32, #tpu.memory_space<vmem>>) offsets(%dma_start3A_98 : memref<128xi32, #tpu.memory_space<vmem>>) semaphore(%arg21 : memref<!tpu.dma_semaphore, #tpu.memory_space<semaphore_mem>>)
        %dma_wait3A = arith.constant 0 : i32
        %dma_wait3A_102 = tpu.memref_slice %arg9[%mul3A_72, %dma_wait3A] : memref<8x128xi32, #tpu.memory_space<vmem>> -> memref<1x128xi32, #tpu.memory_space<vmem>>
        %dma_wait3A_103 = tpu.memref_squeeze %dma_wait3A_102 : memref<1x128xi32, #tpu.memory_space<vmem>> -> memref<128xi32, #tpu.memory_space<vmem>>
        %dma_wait3A_104 = arith.constant 0 : i32
        %dma_wait3A_105 = arith.constant 0 : i32
        %dma_wait3A_106 = tpu.memref_slice %arg6[%dma_wait3A_104, %dma_wait3A_105] : memref<102400x32xf32, #tpu.memory_space<hbm>> -> memref<102400x32xf32, #tpu.memory_space<hbm>>
        tpu.wait_indirect_dma semaphore(%arg18 : memref<!tpu.dma_semaphore, #tpu.memory_space<semaphore_mem>>) src(%dma_wait3A_106 : memref<102400x32xf32, #tpu.memory_space<hbm>>) dst(%arg11 : memref<128x32xf32, #tpu.memory_space<vmem>>)
        %dma_start3A_107 = arith.constant 0 : i32
        %dma_start3A_108 = tpu.memref_slice %arg10[%mul3A_72, %dma_start3A_107] : memref<8x128xi32, #tpu.memory_space<vmem>> -> memref<1x128xi32, #tpu.memory_space<vmem>>
        %dma_start3A_109 = tpu.memref_squeeze %dma_start3A_108 : memref<1x128xi32, #tpu.memory_space<vmem>> -> memref<128xi32, #tpu.memory_space<vmem>>
        %dma_start3A_110 = arith.constant 0 : i32
        %dma_start3A_111 = arith.constant 0 : i32
        %dma_start3A_112 = tpu.memref_slice %arg8[%dma_start3A_110, %dma_start3A_111] : memref<51200x32xf32, #tpu.memory_space<vmem_shared>> -> memref<51200x32xf32, #tpu.memory_space<vmem_shared>>
        tpu.enqueue_indirect_dma source(%arg11 : memref<128x32xf32, #tpu.memory_space<vmem>>) target(%dma_start3A_112 : memref<51200x32xf32, #tpu.memory_space<vmem_shared>>) offsets(%dma_start3A_109 : memref<128xi32, #tpu.memory_space<vmem>>) semaphore(%arg22 : memref<!tpu.dma_semaphore, #tpu.memory_space<semaphore_mem>>) {add = true}
        %dma_wait3A_113 = arith.constant 0 : i32
        %dma_wait3A_114 = tpu.memref_slice %arg9[%add3A_79, %dma_wait3A_113] : memref<8x128xi32, #tpu.memory_space<vmem>> -> memref<1x128xi32, #tpu.memory_space<vmem>>
        %dma_wait3A_115 = tpu.memref_squeeze %dma_wait3A_114 : memref<1x128xi32, #tpu.memory_space<vmem>> -> memref<128xi32, #tpu.memory_space<vmem>>
        %dma_wait3A_116 = arith.constant 0 : i32
        %dma_wait3A_117 = arith.constant 0 : i32
        %dma_wait3A_118 = tpu.memref_slice %arg6[%dma_wait3A_116, %dma_wait3A_117] : memref<102400x32xf32, #tpu.memory_space<hbm>> -> memref<102400x32xf32, #tpu.memory_space<hbm>>
        tpu.wait_indirect_dma semaphore(%arg19 : memref<!tpu.dma_semaphore, #tpu.memory_space<semaphore_mem>>) src(%dma_wait3A_118 : memref<102400x32xf32, #tpu.memory_space<hbm>>) dst(%arg12 : memref<128x32xf32, #tpu.memory_space<vmem>>)
        %add3A_119 = arith.constant 1 : i32
        %add3A_120 = arith.addi %mul3A_72, %add3A_119 : i32
        %dma_start3A_121 = arith.constant 0 : i32
        %dma_start3A_122 = tpu.memref_slice %arg10[%add3A_120, %dma_start3A_121] : memref<8x128xi32, #tpu.memory_space<vmem>> -> memref<1x128xi32, #tpu.memory_space<vmem>>
        %dma_start3A_123 = tpu.memref_squeeze %dma_start3A_122 : memref<1x128xi32, #tpu.memory_space<vmem>> -> memref<128xi32, #tpu.memory_space<vmem>>
        %dma_start3A_124 = arith.constant 0 : i32
        %dma_start3A_125 = arith.constant 0 : i32
        %dma_start3A_126 = tpu.memref_slice %arg8[%dma_start3A_124, %dma_start3A_125] : memref<51200x32xf32, #tpu.memory_space<vmem_shared>> -> memref<51200x32xf32, #tpu.memory_space<vmem_shared>>
        tpu.enqueue_indirect_dma source(%arg12 : memref<128x32xf32, #tpu.memory_space<vmem>>) target(%dma_start3A_126 : memref<51200x32xf32, #tpu.memory_space<vmem_shared>>) offsets(%dma_start3A_123 : memref<128xi32, #tpu.memory_space<vmem>>) semaphore(%arg23 : memref<!tpu.dma_semaphore, #tpu.memory_space<semaphore_mem>>) {add = true}
        %dma_wait3A_127 = arith.constant 0 : i32
        %dma_wait3A_128 = tpu.memref_slice %arg9[%add3A_87, %dma_wait3A_127] : memref<8x128xi32, #tpu.memory_space<vmem>> -> memref<1x128xi32, #tpu.memory_space<vmem>>
        %dma_wait3A_129 = tpu.memref_squeeze %dma_wait3A_128 : memref<1x128xi32, #tpu.memory_space<vmem>> -> memref<128xi32, #tpu.memory_space<vmem>>
        %dma_wait3A_130 = arith.constant 0 : i32
        %dma_wait3A_131 = arith.constant 0 : i32
        %dma_wait3A_132 = tpu.memref_slice %arg6[%dma_wait3A_130, %dma_wait3A_131] : memref<102400x32xf32, #tpu.memory_space<hbm>> -> memref<102400x32xf32, #tpu.memory_space<hbm>>
        tpu.wait_indirect_dma semaphore(%arg20 : memref<!tpu.dma_semaphore, #tpu.memory_space<semaphore_mem>>) src(%dma_wait3A_132 : memref<102400x32xf32, #tpu.memory_space<hbm>>) dst(%arg13 : memref<128x32xf32, #tpu.memory_space<vmem>>)
        %add3A_133 = arith.constant 2 : i32
        %add3A_134 = arith.addi %mul3A_72, %add3A_133 : i32
        %dma_start3A_135 = arith.constant 0 : i32
        %dma_start3A_136 = tpu.memref_slice %arg10[%add3A_134, %dma_start3A_135] : memref<8x128xi32, #tpu.memory_space<vmem>> -> memref<1x128xi32, #tpu.memory_space<vmem>>
        %dma_start3A_137 = tpu.memref_squeeze %dma_start3A_136 : memref<1x128xi32, #tpu.memory_space<vmem>> -> memref<128xi32, #tpu.memory_space<vmem>>
        %dma_start3A_138 = arith.constant 0 : i32
        %dma_start3A_139 = arith.constant 0 : i32
        %dma_start3A_140 = tpu.memref_slice %arg8[%dma_start3A_138, %dma_start3A_139] : memref<51200x32xf32, #tpu.memory_space<vmem_shared>> -> memref<51200x32xf32, #tpu.memory_space<vmem_shared>>
        tpu.enqueue_indirect_dma source(%arg13 : memref<128x32xf32, #tpu.memory_space<vmem>>) target(%dma_start3A_140 : memref<51200x32xf32, #tpu.memory_space<vmem_shared>>) offsets(%dma_start3A_137 : memref<128xi32, #tpu.memory_space<vmem>>) semaphore(%arg24 : memref<!tpu.dma_semaphore, #tpu.memory_space<semaphore_mem>>) {add = true}
        %dma_wait3A_141 = arith.constant 0 : i32
        %dma_wait3A_142 = tpu.memref_slice %arg9[%add3A_95, %dma_wait3A_141] : memref<8x128xi32, #tpu.memory_space<vmem>> -> memref<1x128xi32, #tpu.memory_space<vmem>>
        %dma_wait3A_143 = tpu.memref_squeeze %dma_wait3A_142 : memref<1x128xi32, #tpu.memory_space<vmem>> -> memref<128xi32, #tpu.memory_space<vmem>>
        %dma_wait3A_144 = arith.constant 0 : i32
        %dma_wait3A_145 = arith.constant 0 : i32
        %dma_wait3A_146 = tpu.memref_slice %arg6[%dma_wait3A_144, %dma_wait3A_145] : memref<102400x32xf32, #tpu.memory_space<hbm>> -> memref<102400x32xf32, #tpu.memory_space<hbm>>
        tpu.wait_indirect_dma semaphore(%arg21 : memref<!tpu.dma_semaphore, #tpu.memory_space<semaphore_mem>>) src(%dma_wait3A_146 : memref<102400x32xf32, #tpu.memory_space<hbm>>) dst(%arg14 : memref<128x32xf32, #tpu.memory_space<vmem>>)
        %add3A_147 = arith.constant 3 : i32
        %add3A_148 = arith.addi %mul3A_72, %add3A_147 : i32
        %dma_start3A_149 = arith.constant 0 : i32
        %dma_start3A_150 = tpu.memref_slice %arg10[%add3A_148, %dma_start3A_149] : memref<8x128xi32, #tpu.memory_space<vmem>> -> memref<1x128xi32, #tpu.memory_space<vmem>>
        %dma_start3A_151 = tpu.memref_squeeze %dma_start3A_150 : memref<1x128xi32, #tpu.memory_space<vmem>> -> memref<128xi32, #tpu.memory_space<vmem>>
        %dma_start3A_152 = arith.constant 0 : i32
        %dma_start3A_153 = arith.constant 0 : i32
        %dma_start3A_154 = tpu.memref_slice %arg8[%dma_start3A_152, %dma_start3A_153] : memref<51200x32xf32, #tpu.memory_space<vmem_shared>> -> memref<51200x32xf32, #tpu.memory_space<vmem_shared>>
        tpu.enqueue_indirect_dma source(%arg14 : memref<128x32xf32, #tpu.memory_space<vmem>>) target(%dma_start3A_154 : memref<51200x32xf32, #tpu.memory_space<vmem_shared>>) offsets(%dma_start3A_151 : memref<128xi32, #tpu.memory_space<vmem>>) semaphore(%arg25 : memref<!tpu.dma_semaphore, #tpu.memory_space<semaphore_mem>>) {add = true}
        %dma_wait3A_155 = arith.constant 0 : i32
        %dma_wait3A_156 = tpu.memref_slice %arg10[%mul3A_72, %dma_wait3A_155] : memref<8x128xi32, #tpu.memory_space<vmem>> -> memref<1x128xi32, #tpu.memory_space<vmem>>
        %dma_wait3A_157 = tpu.memref_squeeze %dma_wait3A_156 : memref<1x128xi32, #tpu.memory_space<vmem>> -> memref<128xi32, #tpu.memory_space<vmem>>
        %dma_wait3A_158 = arith.constant 0 : i32
        %dma_wait3A_159 = arith.constant 0 : i32
        %dma_wait3A_160 = tpu.memref_slice %arg8[%dma_wait3A_158, %dma_wait3A_159] : memref<51200x32xf32, #tpu.memory_space<vmem_shared>> -> memref<51200x32xf32, #tpu.memory_space<vmem_shared>>
        tpu.wait_indirect_dma semaphore(%arg22 : memref<!tpu.dma_semaphore, #tpu.memory_space<semaphore_mem>>) src(%arg11 : memref<128x32xf32, #tpu.memory_space<vmem>>) dst(%dma_wait3A_160 : memref<51200x32xf32, #tpu.memory_space<vmem_shared>>)
        %dma_wait3A_161 = arith.constant 0 : i32
        %dma_wait3A_162 = tpu.memref_slice %arg10[%add3A_120, %dma_wait3A_161] : memref<8x128xi32, #tpu.memory_space<vmem>> -> memref<1x128xi32, #tpu.memory_space<vmem>>
        %dma_wait3A_163 = tpu.memref_squeeze %dma_wait3A_162 : memref<1x128xi32, #tpu.memory_space<vmem>> -> memref<128xi32, #tpu.memory_space<vmem>>
        %dma_wait3A_164 = arith.constant 0 : i32
        %dma_wait3A_165 = arith.constant 0 : i32
        %dma_wait3A_166 = tpu.memref_slice %arg8[%dma_wait3A_164, %dma_wait3A_165] : memref<51200x32xf32, #tpu.memory_space<vmem_shared>> -> memref<51200x32xf32, #tpu.memory_space<vmem_shared>>
        tpu.wait_indirect_dma semaphore(%arg23 : memref<!tpu.dma_semaphore, #tpu.memory_space<semaphore_mem>>) src(%arg12 : memref<128x32xf32, #tpu.memory_space<vmem>>) dst(%dma_wait3A_166 : memref<51200x32xf32, #tpu.memory_space<vmem_shared>>)
        %dma_wait3A_167 = arith.constant 0 : i32
        %dma_wait3A_168 = tpu.memref_slice %arg10[%add3A_134, %dma_wait3A_167] : memref<8x128xi32, #tpu.memory_space<vmem>> -> memref<1x128xi32, #tpu.memory_space<vmem>>
        %dma_wait3A_169 = tpu.memref_squeeze %dma_wait3A_168 : memref<1x128xi32, #tpu.memory_space<vmem>> -> memref<128xi32, #tpu.memory_space<vmem>>
        %dma_wait3A_170 = arith.constant 0 : i32
        %dma_wait3A_171 = arith.constant 0 : i32
        %dma_wait3A_172 = tpu.memref_slice %arg8[%dma_wait3A_170, %dma_wait3A_171] : memref<51200x32xf32, #tpu.memory_space<vmem_shared>> -> memref<51200x32xf32, #tpu.memory_space<vmem_shared>>
        tpu.wait_indirect_dma semaphore(%arg24 : memref<!tpu.dma_semaphore, #tpu.memory_space<semaphore_mem>>) src(%arg13 : memref<128x32xf32, #tpu.memory_space<vmem>>) dst(%dma_wait3A_172 : memref<51200x32xf32, #tpu.memory_space<vmem_shared>>)
        %dma_wait3A_173 = arith.constant 0 : i32
        %dma_wait3A_174 = tpu.memref_slice %arg10[%add3A_148, %dma_wait3A_173] : memref<8x128xi32, #tpu.memory_space<vmem>> -> memref<1x128xi32, #tpu.memory_space<vmem>>
        %dma_wait3A_175 = tpu.memref_squeeze %dma_wait3A_174 : memref<1x128xi32, #tpu.memory_space<vmem>> -> memref<128xi32, #tpu.memory_space<vmem>>
        %dma_wait3A_176 = arith.constant 0 : i32
        %dma_wait3A_177 = arith.constant 0 : i32
        %dma_wait3A_178 = tpu.memref_slice %arg8[%dma_wait3A_176, %dma_wait3A_177] : memref<51200x32xf32, #tpu.memory_space<vmem_shared>> -> memref<51200x32xf32, #tpu.memory_space<vmem_shared>>
        tpu.wait_indirect_dma semaphore(%arg25 : memref<!tpu.dma_semaphore, #tpu.memory_space<semaphore_mem>>) src(%arg14 : memref<128x32xf32, #tpu.memory_space<vmem>>) dst(%dma_wait3A_178 : memref<51200x32xf32, #tpu.memory_space<vmem_shared>>)
        %scan3A_179 = arith.constant 0 : i32
        scf.yield %scan3A_179 : i32
      }
      %scan3A_67 = arith.constant 2 : i32
      %scan3A_68 = arith.constant 0 : i32
      scf.yield %scan3A_68 : i32
    }
    %scan3A_45 = arith.constant 49 : i32
    %barrier3A_46 = arith.constant 0 : index
    tpu.barrier barrier_id(%barrier3A_46)
    %scan3A_47 = arith.constant 0 : i32
    %scan3A_48 = arith.constant 0 : i32
    %scan3A_49 = arith.constant 25 : i32
    %scan3A_50 = arith.addi %scan3A_48, %scan3A_49 : i32
    %scan3A_51 = arith.constant 1 : i32
    %scan3A_52 = scf.for %scan3A_54 = %scan3A_48 to %scan3A_50 step %scan3A_51 iter_args(%scan3A_55 = %scan3A_47) -> (i32)  : i32 {
      %mul3A_56 = arith.constant 128 : i32
      %mul3A_57 = arith.muli %scan3A_54, %mul3A_56 : i32
      %add3A = arith.addi %mul3A_6, %mul3A_57 : i32
      %mul3A_58 = arith.constant 51200 : i32
      %mul3A_59 = arith.muli %arg0, %mul3A_58 : i32
      %add3A_60 = arith.addi %mul3A_59, %add3A : i32
      "tpu.region"() ({
        %run_scoped3A = tpu.sem_alloc : memref<!tpu.dma_semaphore, #tpu.memory_space<semaphore_mem>>
        %dma_start3A = arith.constant 0 : i32
        %dma_start3A_62 = tpu.memref_slice %arg7[%add3A_60, %dma_start3A] : memref<102400x32xf32, #tpu.memory_space<hbm>> -> memref<128x32xf32, #tpu.memory_space<hbm>>
        %dma_start3A_63 = arith.constant 0 : i32
        %dma_start3A_64 = tpu.memref_slice %arg8[%add3A, %dma_start3A_63] : memref<51200x32xf32, #tpu.memory_space<vmem_shared>> -> memref<128x32xf32, #tpu.memory_space<vmem_shared>>
        tpu.enqueue_dma source(%dma_start3A_64 : memref<128x32xf32, #tpu.memory_space<vmem_shared>>) target(%dma_start3A_62 : memref<128x32xf32, #tpu.memory_space<hbm>>) target_semaphore(%run_scoped3A : memref<!tpu.dma_semaphore, #tpu.memory_space<semaphore_mem>>)
        %dma_wait3A = arith.constant 0 : i32
        %dma_wait3A_65 = tpu.memref_slice %arg7[%add3A_60, %dma_wait3A] : memref<102400x32xf32, #tpu.memory_space<hbm>> -> memref<128x32xf32, #tpu.memory_space<hbm>>
        %dma_wait3A_66 = arith.constant 0 : i32
        %dma_wait3A_67 = tpu.memref_slice %arg8[%add3A, %dma_wait3A_66] : memref<51200x32xf32, #tpu.memory_space<vmem_shared>> -> memref<128x32xf32, #tpu.memory_space<vmem_shared>>
        tpu.wait_dma2 semaphore(%run_scoped3A : memref<!tpu.dma_semaphore, #tpu.memory_space<semaphore_mem>>) src(%dma_wait3A_67 : memref<128x32xf32, #tpu.memory_space<vmem_shared>>) dst(%dma_wait3A_65 : memref<128x32xf32, #tpu.memory_space<hbm>>)
        tpu.yield
      }) : () -> ()
      %scan3A_61 = arith.constant 0 : i32
      scf.yield %scan3A_61 : i32
    }
    %scan3A_53 = arith.constant 25 : i32
    return
  }
}

module attributes {stable_mosaic.version = 14 : i64} {
  func.func @body(%arg0: i32, %arg1: memref<2000x128xf32, #tpu.memory_space<vmem>>, %arg2: memref<128x64xf32, #tpu.memory_space<vmem>>, %arg3: memref<2x2000x32xf32, #tpu.memory_space<vmem>>) attributes {dimension_semantics = [#tpu.dimension_semantics<arbitrary>], iteration_bounds = array<i64: 25>, scalar_prefetch = 0 : i64, scratch_operands = 0 : i64, tpu.core_type = #tpu.core_type<tc>, window_params = [{transform_indices = @transform_0, window_bounds = array<i64: 2000, 128>}, {pipeline_mode = #tpu.pipeline_mode<synchronous>, transform_indices = @transform_1, window_bounds = array<i64: 128, 64>}, {transform_indices = @transform_2, window_bounds = array<i64: 2, 2000, 32>}]} {
    %get3A = arith.constant 0 : index
    %get3A_0 = arith.constant 0 : index
    %get3A_1 = vector.load %arg1[%get3A, %get3A_0] : memref<2000x128xf32, #tpu.memory_space<vmem>>, vector<2000x128xf32>
    %get3A_2 = arith.constant 0 : index
    %get3A_3 = arith.constant 0 : index
    %get3A_4 = vector.load %arg2[%get3A_2, %get3A_3] : memref<128x64xf32, #tpu.memory_space<vmem>>, vector<128x64xf32>
    %dot_general3A = arith.constant dense<0.000000e+00> : vector<2000x64xf32>
    %dot_general3A_5 = tpu.matmul %get3A_1, %get3A_4, %dot_general3A {dimension_numbers = #tpu.dot_dimension_numbers<[1], [0], [0], [1], [0, 0, 1, 1], [], []>, transpose_lhs_hint = false} : vector<2000x128xf32>, vector<128x64xf32>, vector<2000x64xf32> -> vector<2000x64xf32>
    %slice3A = vector.extract_strided_slice %dot_general3A_5 {offsets = [0, 0], sizes = [2000, 32], strides = [1, 1]} : vector<2000x64xf32> to vector<2000x32xf32>
    %swap3A = arith.constant 0 : index
    %swap3A_6 = arith.constant 0 : index
    %swap3A_7 = arith.constant 0 : index
    %swap3A_8 = vector.load %arg3[%swap3A, %swap3A_6, %swap3A_7] : memref<2x2000x32xf32, #tpu.memory_space<vmem>>, vector<1x2000x32xf32>
    %swap3A_9 = vector.shape_cast %swap3A_8 : vector<1x2000x32xf32> to vector<2000x32xf32>
    %swap3A_10 = vector.shape_cast %slice3A : vector<2000x32xf32> to vector<1x2000x32xf32>
    tpu.vector_store %arg3[%swap3A, %swap3A_6, %swap3A_7], %swap3A_10 {strides = array<i32>} : memref<2x2000x32xf32, #tpu.memory_space<vmem>>, vector<1x2000x32xf32>,
    %slice3A_11 = vector.extract_strided_slice %dot_general3A_5 {offsets = [0, 32], sizes = [2000, 32], strides = [1, 1]} : vector<2000x64xf32> to vector<2000x32xf32>
    %swap3A_12 = arith.constant 1 : index
    %swap3A_13 = arith.constant 0 : index
    %swap3A_14 = arith.constant 0 : index
    %swap3A_15 = vector.load %arg3[%swap3A_12, %swap3A_13, %swap3A_14] : memref<2x2000x32xf32, #tpu.memory_space<vmem>>, vector<1x2000x32xf32>
    %swap3A_16 = vector.shape_cast %swap3A_15 : vector<1x2000x32xf32> to vector<2000x32xf32>
    %swap3A_17 = vector.shape_cast %slice3A_11 : vector<2000x32xf32> to vector<1x2000x32xf32>
    tpu.vector_store %arg3[%swap3A_12, %swap3A_13, %swap3A_14], %swap3A_17 {strides = array<i32>} : memref<2x2000x32xf32, #tpu.memory_space<vmem>>, vector<1x2000x32xf32>,
    return
  }
  func.func @transform_0(%arg0: i32) -> (i32, i32) {
    %c0_i32 = arith.constant 0 : i32
    %c0_i32_0 = arith.constant 0 : i32
    return %arg0, %c0_i32 : i32, i32
  }
  func.func @transform_1(%arg0: i32) -> (i32, i32) {
    %c0_i32 = arith.constant 0 : i32
    %c0_i32_0 = arith.constant 0 : i32
    %c0_i32_1 = arith.constant 0 : i32
    return %c0_i32, %c0_i32_0 : i32, i32
  }
  func.func @transform_2(%arg0: i32) -> (i32, i32, i32) {
    %c0_i32 = arith.constant 0 : i32
    %c0_i32_0 = arith.constant 0 : i32
    %c0_i32_1 = arith.constant 0 : i32
    return %c0_i32, %arg0, %c0_i32_0 : i32, i32, i32
  }
}

module attributes {stable_mosaic.version = 14 : i64} {
  func.func @body(%arg0: i32, %arg1: memref<2x2000x32xf32, #tpu.memory_space<vmem>>, %arg2: memref<64x128xf32, #tpu.memory_space<vmem>>, %arg3: memref<128xf32, #tpu.memory_space<vmem>>, %arg4: memref<2000x128xf32, #tpu.memory_space<vmem>>) attributes {dimension_semantics = [#tpu.dimension_semantics<arbitrary>], iteration_bounds = array<i64: 25>, scalar_prefetch = 0 : i64, scratch_operands = 0 : i64, tpu.core_type = #tpu.core_type<tc>, window_params = [{transform_indices = @transform_0, window_bounds = array<i64: 2, 2000, 32>}, {pipeline_mode = #tpu.pipeline_mode<synchronous>, transform_indices = @transform_1, window_bounds = array<i64: 64, 128>}, {pipeline_mode = #tpu.pipeline_mode<synchronous>, transform_indices = @transform_2, window_bounds = array<i64: 128>}, {transform_indices = @transform_3, window_bounds = array<i64: 2000, 128>}]} {
    %get3A = arith.constant 0 : index
    %get3A_0 = arith.constant 0 : index
    %get3A_1 = arith.constant 0 : index
    %get3A_2 = vector.load %arg1[%get3A, %get3A_0, %get3A_1] : memref<2x2000x32xf32, #tpu.memory_space<vmem>>, vector<2x2000x32xf32>
    %slice3A = vector.extract_strided_slice %get3A_2 {offsets = [0, 0, 0], sizes = [1, 2000, 32], strides = [1, 1, 1]} : vector<2x2000x32xf32> to vector<1x2000x32xf32>
    %squeeze3A = vector.shape_cast %slice3A : vector<1x2000x32xf32> to vector<2000x32xf32>
    %get3A_3 = arith.constant 0 : index
    %get3A_4 = arith.constant 0 : index
    %get3A_5 = vector.load %arg2[%get3A_3, %get3A_4] : memref<64x128xf32, #tpu.memory_space<vmem>>, vector<32x128xf32>
    %dot_general3A = arith.constant dense<0.000000e+00> : vector<2000x128xf32>
    %dot_general3A_6 = tpu.matmul %squeeze3A, %get3A_5, %dot_general3A {dimension_numbers = #tpu.dot_dimension_numbers<[1], [0], [0], [1], [0, 0, 1, 1], [], []>, transpose_lhs_hint = false} : vector<2000x32xf32>, vector<32x128xf32>, vector<2000x128xf32> -> vector<2000x128xf32>
    %slice3A_7 = vector.extract_strided_slice %get3A_2 {offsets = [1, 0, 0], sizes = [1, 2000, 32], strides = [1, 1, 1]} : vector<2x2000x32xf32> to vector<1x2000x32xf32>
    %squeeze3A_8 = vector.shape_cast %slice3A_7 : vector<1x2000x32xf32> to vector<2000x32xf32>
    %get3A_9 = arith.constant 32 : index
    %get3A_10 = arith.constant 0 : index
    %get3A_11 = vector.load %arg2[%get3A_9, %get3A_10] : memref<64x128xf32, #tpu.memory_space<vmem>>, vector<32x128xf32>
    %dot_general3A_12 = arith.constant dense<0.000000e+00> : vector<2000x128xf32>
    %dot_general3A_13 = tpu.matmul %squeeze3A_8, %get3A_11, %dot_general3A_12 {dimension_numbers = #tpu.dot_dimension_numbers<[1], [0], [0], [1], [0, 0, 1, 1], [], []>, transpose_lhs_hint = false} : vector<2000x32xf32>, vector<32x128xf32>, vector<2000x128xf32> -> vector<2000x128xf32>
    %add3A = arith.addf %dot_general3A_6, %dot_general3A_13 : vector<2000x128xf32>
    %get3A_14 = arith.constant 0 : index
    %get3A_15 = vector.load %arg3[%get3A_14] : memref<128xf32, #tpu.memory_space<vmem>>, vector<128xf32>
    %broadcast_in_dim3A = vector.shape_cast %get3A_15 : vector<128xf32> to vector<1x128xf32>
    %add3A_16 = vector.broadcast %broadcast_in_dim3A : vector<1x128xf32> to vector<2000x128xf32>
    %add3A_17 = arith.addf %add3A, %add3A_16 : vector<2000x128xf32>
    %max3A = arith.constant 0.000000e+00 : f32
    %max3A_18 = vector.broadcast %max3A : f32 to vector<2000x128xf32>
    %max3A_19 = arith.maximumf %add3A_17, %max3A_18 : vector<2000x128xf32>
    %swap3A = arith.constant 0 : index
    %swap3A_20 = arith.constant 0 : index
    %swap3A_21 = vector.load %arg4[%swap3A, %swap3A_20] : memref<2000x128xf32, #tpu.memory_space<vmem>>, vector<2000x128xf32>
    tpu.vector_store %arg4[%swap3A, %swap3A_20], %max3A_19 {strides = array<i32>} : memref<2000x128xf32, #tpu.memory_space<vmem>>, vector<2000x128xf32>,
    return
  }
  func.func @transform_0(%arg0: i32) -> (i32, i32, i32) {
    %c0_i32 = arith.constant 0 : i32
    %c0_i32_0 = arith.constant 0 : i32
    %c0_i32_1 = arith.constant 0 : i32
    return %c0_i32, %arg0, %c0_i32_0 : i32, i32, i32
  }
  func.func @transform_1(%arg0: i32) -> (i32, i32) {
    %c0_i32 = arith.constant 0 : i32
    %c0_i32_0 = arith.constant 0 : i32
    %c0_i32_1 = arith.constant 0 : i32
    return %c0_i32, %c0_i32_0 : i32, i32
  }
  func.func @transform_2(%arg0: i32) -> i32 {
    %c0_i32 = arith.constant 0 : i32
    %c0_i32_0 = arith.constant 0 : i32
    return %c0_i32 : i32
  }
  func.func @transform_3(%arg0: i32) -> (i32, i32) {
    %c0_i32 = arith.constant 0 : i32
    %c0_i32_0 = arith.constant 0 : i32
    return %arg0, %c0_i32 : i32, i32
  }
}

</mosaic_0001>

<sc_bundles>
// kernel: kernel.5.cloned.1.call-start
scs
__scs_entry_jumppad:
0x0: {  	(pc) =	sbr.rel $0x88, $3  }
0x1: {  	(tag) =	ssettag $0x0;
	lr =	simm.s32 $0x1  }
0x2: {  	[smem:$0x3F9B] =	sst lr;
	_ =	strace $0xD0000000  }
0x3: {  	_ = 	snop  }
0x4: {  	_ = 	snop  }
0x5: {  	_ = 	snop  }
0x6: {  	_ = 	snop  }
0x7: {  	_ = 	snop  }
__scs_overlays_trampoline_lowered:
0x8: {  	[smem:$0x3FAA] =	sst s0  }
0x9: {  	[smem:$0x3FAB] =	sst s1  }
0xa: {  	[smem:$0x3FAC] =	sst s2  }
0xb: {  	[smem:$0x3FAD] =	sst s3  }
0xc: {  	[smem:$0x3FAE] =	sst s4  }
0xd: {  	[smem:$0x3FAF] =	sst s5  }
0xe: {  	[smem:$0x3FB0] =	sst s6  }
0xf: {  	[smem:$0x3FB1] =	sst s7  }
0x10: {  	[smem:$0x3FB2] =	sst s8  }
0x11: {  	[smem:$0x3FB3] =	sst s9;
	s0 =	simm.s32 @!p0 $0x0  }
0x12: {  	s1 =	sld [smem:$0x3F99];
	s0 =	simm.s32 @p0 $0x1  }
0x13: {  	[smem:$0x3FB4] =	sst s0;
	s0 =	simm.s32 @!p1 $0x0  }
0x14: {  	s2 =	sld [smem:$0x3F98];
	s0 =	simm.s32 @p1 $0x1  }
0x15: {  	[smem:$0x3FB5] =	sst s0;
	s0 =	simm.s32 @!p2 $0x0  }
0x16: {  	s3 =	sld [smem:$0x3FDB];
	s0 =	simm.s32 @p2 $0x1  }
0x17: {  	s4 =	simm.s32 $0x1BF5;
	[smem:$0x3FB7] =	sst s0  }
0x18: {  	s0 =	sld [smem:$0x3F9A];
	_ =	swait.ge [sflag:s4], $0x0  }
0x19: {  	s7 =	sld [smem:$0x3F9B]  }
0x1a: {  	s8 =	sadd.s32 $0xFFFFE003, lr  }
0x1b: {  	s9 =	sadd.s32 $0xFFFFFEF7, lr;
	s5 =	simm.s32 $0xFFFFFFFF;
	p2 =	slt.u32 s8, $0xFFFFF086  }
0x1c: {  	p1 =	slt.u32 s9, $0xF7A;
	s5 =	simm.s32 @!p2 $0x0  }
0x1d: {  	s5 =	simm.s32 @p1 $0x1;
	p0 =	seq.s32 s7, s2  }
0x1e: {  	s7 =	smul.u32 @!p0 $0xF7A, s2;
	p2 =	seq.s32 @!p0 s5, $0x0  }
0x1f: {  	s9 =	smul.u32 $0xF7A, s1;
	s8 =	simm.s32 @!p0 $0x1BF5;
	p2 =	por !p2, p0  }
0x20: {  	[sflag:s8] =	ssyncset.s32 @!p0 $0xFFFFF086;
	s6 =	sadd.s32 @!p0 s3, s7;
	s7 =	simm.s32 @!p0 $0x108  }
0x21: {  	s3 =	sadd.s32 s3, s9;
	s6 =	sadd.s32 @!p0 $0x88, s6;
	s7 =	simm.s32 @p2 $0x1082  }
0x22: {  	[simem:s7], [sflag:s8] =	dma.local @!p0 [hbm:s6], $0xF7A  }
0x23: {  	s9 =	sor.u32 $0xD0000000, s2;
	s6 =	simm.s32 $0x108;
	_ =	swait.ge @!p0 [sflag:s8], $0x0  }
0x24: {  	s3 =	sadd.s32 $0x88, s3;
	s6 =	simm.s32 @!p1 $0x1082;
	[sflag:s4] =	ssyncset.s32 $0xFFFFF086  }
0x25: {  	[simem:s6], [sflag:s4] =	dma.local [hbm:s3], $0xF7A  }
0x26: {  	[smem:$0x3F9B] =	sst s1;
	(tag) =	ssettag s2;
	_ =	strace s9  }
0x27: {  	s1 =	sld [smem:$0x3FAB]  }
0x28: {  	s2 =	sld [smem:$0x3FAC]  }
0x29: {  	s4 =	sld [smem:$0x3FAE]  }
0x2a: {  	p0 =	seq.s32 s5, $0x0;
	s5 =	sld [smem:$0x3FAF]  }
0x2b: {  	s6 =	sld [smem:$0x3FB0]  }
0x2c: {  	s7 =	sld [smem:$0x3FB1]  }
0x2d: {  	s3 =	simm.s32 $0x108;
	s8 =	sld [smem:$0x3FB2]  }
0x2e: {  	s3 =	simm.s32 @!p0 $0x1082;
	s9 =	sld [smem:$0x3FB3]  }
0x2f: {  	lr =	sadd.s32 s0, s3;
	s0 =	sld [smem:$0x3FAA]  }
0x30: {  	s3 =	sld [smem:$0x3FAD]  }
0x31: {  	[smem:$0x3FB6] =	sst s10  }
0x32: {  	s10 =	sld [smem:$0x3FB4];
	_ =	sdelay $0x3  }
0x33: {  	p0 =	seq.s32 s10, $0x1;
	s10 =	sld [smem:$0x3FB6];
	_ =	sdelay $0x3  }
0x34: {  	[smem:$0x3FB6] =	sst s10  }
0x35: {  	s10 =	sld [smem:$0x3FB5];
	_ =	sdelay $0x3  }
0x36: {  	p1 =	seq.s32 s10, $0x1;
	s10 =	sld [smem:$0x3FB6];
	_ =	sdelay $0x3  }
0x37: {  	[smem:$0x3FB6] =	sst s10  }
0x38: {  	s10 =	sld [smem:$0x3FB7]  }
0x39: {  	_ = 	snop;
	(pc) =	sbr.ind lr, $3  }
0x3a: {  	_ = 	snop  }
0x3b: {  	_ = 	snop  }
0x3c: {  	p2 =	seq.s32 s10, $0x1;
	s10 =	sld [smem:$0x3FB6]  }
0x3d: {  	_ =	shalt  }
0x3e: {  	_ =	shalt  }
0x3f: {  	_ =	shalt  }
0x40: {  	_ =	shalt  }
0x41: {  	_ =	shalt  }
0x42: {  	_ =	shalt  }
0x43: {  	_ =	shalt  }
0x44: {  	_ =	shalt  }
0x45: {  	_ =	shalt  }
0x46: {  	_ =	shalt  }
0x47: {  	_ =	shalt  }
0x48: {  	_ =	shalt  }
0x49: {  	_ =	shalt  }
0x4a: {  	_ =	shalt  }
0x4b: {  	_ =	shalt  }
0x4c: {  	_ =	shalt  }
0x4d: {  	_ =	shalt  }
0x4e: {  	_ =	shalt  }
0x4f: {  	_ =	shalt  }
0x50: {  	_ =	shalt  }
0x51: {  	_ =	shalt  }
0x52: {  	_ =	shalt  }
0x53: {  	_ =	shalt  }
0x54: {  	_ =	shalt  }
0x55: {  	_ =	shalt  }
0x56: {  	_ =	shalt  }
0x57: {  	_ =	shalt  }
0x58: {  	_ =	shalt  }
0x59: {  	_ =	shalt  }
0x5a: {  	_ =	shalt  }
0x5b: {  	_ =	shalt  }
0x5c: {  	_ =	shalt  }
0x5d: {  	_ =	shalt  }
0x5e: {  	_ =	shalt  }
0x5f: {  	_ =	shalt  }
0x60: {  	_ =	shalt  }
0x61: {  	_ =	shalt  }
0x62: {  	_ =	shalt  }
0x63: {  	_ =	shalt  }
0x64: {  	_ =	shalt  }
0x65: {  	_ =	shalt  }
0x66: {  	_ =	shalt  }
0x67: {  	_ =	shalt  }
0x68: {  	_ =	shalt  }
0x69: {  	_ =	shalt  }
0x6a: {  	_ =	shalt  }
0x6b: {  	_ =	shalt  }
0x6c: {  	_ =	shalt  }
0x6d: {  	_ =	shalt  }
0x6e: {  	_ =	shalt  }
0x6f: {  	_ =	shalt  }
0x70: {  	_ =	shalt  }
0x71: {  	_ =	shalt  }
0x72: {  	_ =	shalt  }
0x73: {  	_ =	shalt  }
0x74: {  	_ =	shalt  }
0x75: {  	_ =	shalt  }
0x76: {  	_ =	shalt  }
0x77: {  	_ =	shalt  }
0x78: {  	_ =	shalt  }
0x79: {  	_ =	shalt  }
0x7a: {  	_ =	shalt  }
0x7b: {  	_ =	shalt  }
0x7c: {  	_ =	shalt  }
0x7d: {  	_ =	shalt  }
0x7e: {  	_ =	shalt  }
0x7f: {  	_ =	shalt  }
0x80: {  	_ =	shalt  }
0x81: {  	_ =	shalt  }
0x82: {  	_ =	shalt  }
0x83: {  	_ =	shalt  }
0x84: {  	_ =	shalt  }
0x85: {  	_ =	shalt  }
0x86: {  	_ =	shalt  }
0x87: {  	_ =	shalt  }
.Lfunc_end0:
.L_simem_size_0:
called_computation_lowered:
.L_overlay_start_0:
0x88: {  	s2 =	sld [smem:$0x3FD9]  }
0x89: {  	s3 =	sld [smem:$0x3FFE];
	_ =	sdelay $0x1  }
0x8a: {  	s1 =	srdreg.scid  }
0x8b: {  	s0 =	sand.u32 $0x1, s1  }
0x8c: {  	s17 =	sshll.u32 s0, $0xA;
	s2 =	sadd.s32 s3, s2  }
0x8d: {  	s2 =	sadd.s32 s2, s17  }
0x8e: {  	[smem:$0x3FC2] =	sst s2  }
0x8f: {  	_ = 	snop  }
0x90: {  	s2 =	sld [smem:$0x3FC6]  }
0x91: {  	s18 =	sld [smem:$0x3FD0];
	(tm) =	ssettm $0x1  }
0x92: {  	s4 =	sld [smem:$0x3FFB];
	_ =	sdelay $0x3  }
0x93: {  	_ =	strace s4  }
0x94: {  	s4 =	sld [smem:$0x3FFC];
	_ =	sdelay $0x3  }
0x95: {  	_ =	strace s4  }
0x96: {  	s4 =	sld [smem:$0x3FFD];
	_ =	sdelay $0x3  }
0x97: {  	_ =	strace s4  }
0x98: {  	_ =	strace $0x8FFFFFFF  }
0x99: {  	s19 =	sld [smem:$0x3FDB];
	_ =	sdelay $0x1  }
0x9a: {  	s5 =	simm.s32 $_scs_section_size  }
0x9b: {  	s6 =	simm.s32 $_size__tile_overlayer_lowered;
	s7 =	simm.s32 $_tile_overlayer_lowered  }
0x9c: {  	s22 =	simm.s32 $0x1BFF;
	s21 =	sshll.u32 s7, $0x1;
	s4 =	sadd.s32 s5, s19  }
0x9d: {  	s8 =	simm.s32 $0x0;
	s20 =	sshll.u32 s6, $0x1;
	s6 =	sadd.s32 s21, s4  }
0x9e: {  	[timem:s8], [sflag:s22] =	dma.local [hbm:s6], s20  }
0x9f: {  	_ =	swait.ge [sflag:s22], s20  }
0xa0: {  	s5 =	ssub.s32 $0x0, s20;
	[sflag:s22] =	ssyncset.done $0x0  }
0xa1: {  	[sflag:s22] =	ssyncadd.s32 s5;
	_ =	sdelay $0x1  }
0xa2: {  	s23 =	simm.s32 $0x1B8B  }
0xa3: {  	_ =	swait.ge [sflag:s23], $0x1  }
0xa4: {  	[sflag:s23] =	ssyncset.done $0x0  }
0xa5: {  	s25 =	simm.s32 $0x1B8E;
	s24 =	sld [smem:$0x3FFE];
	[sflag:s23] =	ssyncadd.s32 $0xFFFFFFFF  }
0xa6: {  	s26 =	simm.s32 $execute0_lowered;
	[smem:$0x3FD2] =	sst s25  }
0xa7: {  	s6 =	sshll.u32 s26, $0x1;
	_ =	strace $0x80000046;
	[dreg:$0x1] =	wrdreg $0xFFFFFFFF  }
0xa8: {  	s28 =	simm.s32 $_size_execute0_lowered;
	s4 =	sadd.s32 s4, s6;
	[dreg:$0x0] =	wrdreg $0x0  }
0xa9: {  	s6 =	sshll.u32 s28, $0x1;
	[dreg:$0x2] =	wrdreg s4  }
0xaa: {  	[dreg:$0x3] =	wrdreg s6  }
0xab: {  	[dreg:$0x4] =	wrdreg $0xC0  }
0xac: {  	_ =	task [dreg:s8], $0x5FFFF  }
0xad: {  	[dreg:$0x1] =	wrdreg $0xFFFFFFFF  }
0xae: {  	[dreg:$0x0] =	wrdreg $0x60  }
0xaf: {  	[dreg:$0x2] =	wrdreg s18  }
0xb0: {  	[dreg:$0x3] =	wrdreg s24  }
0xb1: {  	[dreg:$0x4] =	wrdreg s2  }
0xb2: {  	[dreg:$0x5] =	wrdreg $0x0  }
0xb3: {  	[dreg:$0x6] =	wrdreg $0x9  }
0xb4: {  	_ =	task.clear_ibuf [dreg:s8], $0x7FFFF;
	_ =	strace $0x90000046  }
0xb5: {  	s29 =	simm.s32 $0x9;
	_ =	strace $0x80000048  }
0xb6: {  	_ =	swait.ge [sflag:s29], $0x1  }
0xb7: {  	[sflag:s29] =	ssyncadd.s32 $0xFFFFFFFF  }
0xb8: {  	_ =	strace $0x90000048  }
0xb9: {  	_ =	sfence  }
0xba: {  	s30 =	sld [smem:$0x0];
	_ =	sdelay $0x2  }
0xbb: {  	s31 =	sshll.u32 s1, $0xD;
	s1 =	sshrl.u32 s1, $0x2  }
0xbc: {  	s3 =	sand.u32 $0x4000, s31;
	s1 =	sadd.s32 s1, s30  }
0xbd: {  	s0 =	sor.u32 s3, s0;
	s1 =	sshll.u32 s1, $0x11  }
0xbe: {  	s0 =	sor.u32 s1, s0  }
0xbf: {  	s0 =	sadd.s32 $0x8F2B, s0  }
0xc0: {  	[sflag:s0] =	ssyncadd.remote.s32 $0x1  }
0xc1: {  	_ =	sfence.sel $0xFFFF  }
0xc2: {  	[dreg:$0x0] =	wrdreg $0xFFFFFFFF;
	(pc) =	sbr.abs _section_cstart, $3  }
0xc3: {  	[dreg:$0x1] =	wrdreg $0xFFFFFFFF  }
0xc4: {  	_ =	task.clear_ibuf [dreg:s8], $0x2FFFF;
	_ =	strace $0x9FFFFFFF  }
0xc5: {  	(tm) =	ssettm $0x7FFFFFFF  }
tec
execute0_lowered:
.L_overlay_start_1:
0x0: {  	(tag) =	ssettag $0x1  }
0x1: {  	s1 =	rddreg [dreg:$0x0]  }
0x2: {  	s2 =	rddreg [dreg:$0x1]  }
0x3: {  	s0 =	srdreg.scid;
	s6 =	rddreg [dreg:$0x2]  }
0x4: {  	s13 =	stileid.u32;
	s3 =	rddreg [dreg:$0x3]  }
0x5: {  	s4 =	simm.s32 $0x0;
	s14 =	simm.s32 $0x1D800;
	s5 =	smul.u32 $0xC400, s13  }
0x6: {  	s15 =	simm.s32 $0x9;
	s17 =	simm.s32 $0x19000;
	s20 =	smul.u32 $0x1880, s13  }
0x7: {  	s18 =	simm.s32 $0x19400;
	s19 =	simm.s32 $0x80;
	s12 =	smul.u32 $0x64000, s13  }
0x8: {  	s28 =	simm.s32 $0x1;
	s29 =	simm.s32 $0x2;
	s22 =	smul.u32 $0xC80, s13  }
0x9: {  	s31 =	simm.s32 $0x3;
	s0 =	sand.u32 $0x1, s0;
	s25 =	smul.u32 $0x3200, s13  }
0xa: {  	s16 =	simm.s32 $0x4;
	[smem:$0x7FF] =	sst s4;
	s7 =	smul.u32 $0xC4000, s0  }
0xb: {  	_ =	strace $0x80000047;
	s9 =	smul.u32 $0x32000, s0;
	s10 =	ssub.s32 $0x2, s0  }
0xc: {  	s24 =	sshll.u32 s0, $0x2;
	s0 =	smul.u32 $0xC800, s0;
	s11 =	sshrl.u32 s10, $0x1  }
0xd: {  	[dreg:$0x6] =	wrdreg s22;
	s23 =	sshrl.u32 s12, $0x2;
	s6 =	sadd.s32 s6, s24  }
0xe: {  	s22 =	simm.s32 $0x1A800;
	s24 =	simm.s32 $0x1B800;
	s5 =	sadd.s32 s5, s7  }
0xf: {  	s7 =	sadd.s32 s20, s2;
	s21 =	ssub.s32 s10, s11;
	[dreg:$0x8] =	wrdreg s6  }
0x10: {  	s13 =	sadd.s32 s23, s3;
	[dreg:$0x9] =	wrdreg s0;
	s20 =	simm.s32 $0x19800  }
0x11: {  	s10 =	simm.s32 $0x6;
	s6 =	simm.s32 $0x7;
	s5 =	sshrl.u32 s5, $0x3  }
0x12: {  	s26 =	smax.u32 s21, $0x1;
	s11 =	sadd.s32 $0x600, s7;
	[dreg:$0x7] =	wrdreg s13  }
0x13: {  	s8 =	sadd.s32 s5, s2;
	s5 =	sadd.s32 $0x49E00, s2;
	s2 =	sadd.s32 s9, s2  }
0x14: {  	[dreg:$0xa] =	wrdreg s26;
	s26 =	simm.s32 $0x1C800;
	s30 =	sadd.s32 s25, s2  }
0x15: {  	s9 =	simm.s32 $0x8;
	s12 =	sadd.s32 $0x18E00, s8;
	s21 =	sadd.s32 $0xADE00, s30  }
0x16: {  	v0 =	vimm.f32 $0.0e+00;
	s8 =	simm.s32 $0x5;
	s2 =	simm.s32 $0x0;
	[dreg:$0x5] =	wrdreg s21  }
.LBB2_1:
0x17: {  	s0 =	simm.s32 $0x0  }
.LBB2_2:
0x18: {  	p0 =	sne.s32 s0, $0x3F80  }
.Ltmp0:
0x19: {  	_ = 	snop;
	(pc) =	sbr.rel @p0 .LBB2_2-.Ltmp0, $4  }
0x1a: {  	_ = 	snop  }
0x1b: {  	s7 =	sshra.s32 s0, $0x2  }
0x1c: {  	[tilespmem:s7+$0x1D800] =	vst v0  }
0x1d: {  	s0 =	sadd.s32 $0x80, s0;
	[tilespmem:s7+$0x1D810] =	vst v0  }
0x1e: {  	[dreg:$0xb] =	wrdreg s2;
	s0 =	sadd.s32 $0x0, s13  }
0x1f: {  	[spmem:s0] =	stream.linear.scatter [tilespmem:s14], [sflag:$0x9], $0x1000, $0x38;
	[tilespmem:$0x1F820] =	vst v63  }
0x20: {  	s0 =	simm.s32 $0x4000;
	_ =	swait.ge [sflag:s15], $0x1000  }
.LBB2_4:
0x21: {  	s7 =	sshra.s32 s0, $0x2;
	[sflag:s15] =	ssyncset.done $0x0;
	p0 =	sne.s32 s0, $0x60000  }
.Ltmp1:
0x22: {  	s7 =	sadd.s32 s7, s13;
	[sflag:s15] =	ssyncadd.s32 $0xFFFFF000;
	(pc) =	sbr.rel @p0 .LBB2_4-.Ltmp1, $3  }
0x23: {  	[spmem:s7] =	stream.linear.scatter [tilespmem:s14], [sflag:$0x9], $0x1000, $0x38;
	[tilespmem:$0x1F820] =	vst v63  }
0x24: {  	s0 =	sadd.s32 $0x4000, s0;
	_ =	sdelay $0x1  }
0x25: {  	_ =	swait.ge [sflag:s15], $0x1000  }
0x26: {  	[sflag:s15] =	ssyncset.done $0x0;
	s0 =	simm.s32 $0x0  }
0x27: {  	s7 =	rddreg [dreg:$0x8];
	s13 =	simm.s32 $0x1F800;
	[sflag:s15] =	ssyncadd.s32 $0xFFFFF000  }
0x28: {  	[tilespmem:s13], [sflag:$0x9] =	stream.linear.gather [hbm4b:s7+s0], $0x20, $0x38;
	[tilespmem:$0x1F820] =	vst v63  }
0x29: {  	_ =	swait.ge [sflag:s15], $0x20  }
0x2a: {  	[sflag:s15] =	ssyncset.done $0x0  }
0x2b: {  	[sflag:s15] =	ssyncadd.s32 $0xFFFFFFE0  }
0x2c: {  	s21 =	sadd.s32 $0x0, s12;
	[bflag:$0x0] =	sbarrier.arrive $0xFFFF  }
0x2d: {  	[tilespmem:s17], [sflag:$0x9] =	stream.linear.gather [hbm4b:s21+s4], $0x400, $0x38;
	[tilespmem:$0x1F820] =	vst v63  }
0x2e: {  	_ =	swait.ge [sflag:s15], $0x400  }
0x2f: {  	[sflag:s15] =	ssyncset.done $0x0  }
0x30: {  	s23 =	sadd.s32 $0x0, s11;
	[sflag:s15] =	ssyncadd.s32 $0xFFFFFC00  }
0x31: {  	[tilespmem:s18], [sflag:$0x9] =	stream.linear.gather [hbm4b:s23+s4], $0x400, $0x38;
	[tilespmem:$0x1F820] =	vst v63  }
0x32: {  	_ =	swait.ge [sflag:s15], $0x400  }
0x33: {  	[sflag:s15] =	ssyncset.done $0x0  }
0x34: {  	[sflag:s15] =	ssyncadd.s32 $0xFFFFFC00  }
0x35: {  	[tilespmem:s20], [sflag:$0x1] =	stream.indirect.gather [hbm4b:s1+s19], $0x20, s17, s19, $0xb8;
	[tilespmem:$0x1F820] =	vst v63  }
0x36: {  	s25 =	simm.s32 $0x19080  }
0x37: {  	[tilespmem:s22], [sflag:$0x2] =	stream.indirect.gather [hbm4b:s1+s19], $0x20, s25, s19, $0xb8;
	[tilespmem:$0x1F820] =	vst v63  }
0x38: {  	s2 =	simm.s32 $0x19100  }
0x39: {  	[tilespmem:s24], [sflag:$0x3] =	stream.indirect.gather [hbm4b:s1+s19], $0x20, s2, s19, $0xb8;
	[tilespmem:$0x1F820] =	vst v63  }
0x3a: {  	s25 =	simm.s32 $0x19180  }
0x3b: {  	[tilespmem:s26], [sflag:$0x4] =	stream.indirect.gather [hbm4b:s1+s19], $0x20, s25, s19, $0xb8;
	[tilespmem:$0x1F820] =	vst v63  }
0x3c: {  	_ =	swait.ge [sflag:s28], $0x1000  }
0x3d: {  	[sflag:s28] =	ssyncset.done $0x0  }
0x3e: {  	[sflag:s28] =	ssyncadd.s32 $0xFFFFF000  }
0x3f: {  	[spmem:s3] =	stream.indirect.scatter.add.f32 [tilespmem:s20], [sflag:$0x5], $0x20, s18, s19, $0xb8;
	[tilespmem:$0x1F820] =	vst v63  }
0x40: {  	_ =	swait.ge [sflag:s29], $0x1000  }
0x41: {  	[sflag:s29] =	ssyncset.done $0x0  }
0x42: {  	s30 =	simm.s32 $0x19480;
	[sflag:s29] =	ssyncadd.s32 $0xFFFFF000  }
0x43: {  	[spmem:s3] =	stream.indirect.scatter.add.f32 [tilespmem:s22], [sflag:$0x6], $0x20, s30, s19, $0xb8;
	[tilespmem:$0x1F820] =	vst v63  }
0x44: {  	_ =	swait.ge [sflag:s31], $0x1000  }
0x45: {  	[sflag:s31] =	ssyncset.done $0x0  }
0x46: {  	s2 =	simm.s32 $0x19500;
	[sflag:s31] =	ssyncadd.s32 $0xFFFFF000  }
0x47: {  	[spmem:s3] =	stream.indirect.scatter.add.f32 [tilespmem:s24], [sflag:$0x7], $0x20, s2, s19, $0xb8;
	[tilespmem:$0x1F820] =	vst v63  }
0x48: {  	_ =	swait.ge [sflag:s16], $0x1000  }
0x49: {  	[sflag:s16] =	ssyncset.done $0x0  }
0x4a: {  	s23 =	simm.s32 $0x19580;
	[sflag:s16] =	ssyncadd.s32 $0xFFFFF000  }
0x4b: {  	[spmem:s3] =	stream.indirect.scatter.add.f32 [tilespmem:s26], [sflag:$0x8], $0x20, s23, s19, $0xb8;
	[tilespmem:$0x1F820] =	vst v63  }
0x4c: {  	_ =	swait.ge [sflag:s8], $0x1000  }
0x4d: {  	[sflag:s8] =	ssyncset.done $0x0  }
0x4e: {  	[sflag:s8] =	ssyncadd.s32 $0xFFFFF000  }
0x4f: {  	_ =	swait.ge [sflag:s10], $0x1000  }
0x50: {  	[sflag:s10] =	ssyncset.done $0x0  }
0x51: {  	[sflag:s10] =	ssyncadd.s32 $0xFFFFF000  }
0x52: {  	_ =	swait.ge [sflag:s6], $0x1000  }
0x53: {  	[sflag:s6] =	ssyncset.done $0x0  }
0x54: {  	[sflag:s6] =	ssyncadd.s32 $0xFFFFF000  }
0x55: {  	_ =	swait.ge [sflag:s9], $0x1000  }
0x56: {  	[sflag:s9] =	ssyncset.done $0x0  }
0x57: {  	s7 =	simm.s32 $0x19200;
	[sflag:s9] =	ssyncadd.s32 $0xFFFFF000  }
0x58: {  	[tilespmem:s20], [sflag:$0x1] =	stream.indirect.gather [hbm4b:s1+s19], $0x20, s7, s19, $0xb8;
	[tilespmem:$0x1F820] =	vst v63  }
0x59: {  	s13 =	simm.s32 $0x19280  }
0x5a: {  	[tilespmem:s22], [sflag:$0x2] =	stream.indirect.gather [hbm4b:s1+s19], $0x20, s13, s19, $0xb8;
	[tilespmem:$0x1F820] =	vst v63  }
0x5b: {  	s14 =	simm.s32 $0x19300  }
0x5c: {  	[tilespmem:s24], [sflag:$0x3] =	stream.indirect.gather [hbm4b:s1+s19], $0x20, s14, s19, $0xb8;
	[tilespmem:$0x1F820] =	vst v63  }
0x5d: {  	s21 =	simm.s32 $0x19380  }
0x5e: {  	[tilespmem:s26], [sflag:$0x4] =	stream.indirect.gather [hbm4b:s1+s19], $0x20, s21, s19, $0xb8;
	[tilespmem:$0x1F820] =	vst v63  }
0x5f: {  	_ =	swait.ge [sflag:s28], $0x1000  }
0x60: {  	[sflag:s28] =	ssyncset.done $0x0  }
0x61: {  	s7 =	simm.s32 $0x19600;
	[sflag:s28] =	ssyncadd.s32 $0xFFFFF000  }
0x62: {  	[spmem:s3] =	stream.indirect.scatter.add.f32 [tilespmem:s20], [sflag:$0x5], $0x20, s7, s19, $0xb8;
	[tilespmem:$0x1F820] =	vst v63  }
0x63: {  	_ =	swait.ge [sflag:s29], $0x1000  }
0x64: {  	[sflag:s29] =	ssyncset.done $0x0  }
0x65: {  	s13 =	simm.s32 $0x19680;
	[sflag:s29] =	ssyncadd.s32 $0xFFFFF000  }
0x66: {  	[spmem:s3] =	stream.indirect.scatter.add.f32 [tilespmem:s22], [sflag:$0x6], $0x20, s13, s19, $0xb8;
	[tilespmem:$0x1F820] =	vst v63  }
0x67: {  	_ =	swait.ge [sflag:s31], $0x1000  }
0x68: {  	[sflag:s31] =	ssyncset.done $0x0  }
0x69: {  	s14 =	simm.s32 $0x19700;
	[sflag:s31] =	ssyncadd.s32 $0xFFFFF000  }
0x6a: {  	[spmem:s3] =	stream.indirect.scatter.add.f32 [tilespmem:s24], [sflag:$0x7], $0x20, s14, s19, $0xb8;
	[tilespmem:$0x1F820] =	vst v63  }
0x6b: {  	_ =	swait.ge [sflag:s16], $0x1000  }
0x6c: {  	[sflag:s16] =	ssyncset.done $0x0  }
0x6d: {  	s21 =	simm.s32 $0x19780;
	[sflag:s16] =	ssyncadd.s32 $0xFFFFF000  }
0x6e: {  	[spmem:s3] =	stream.indirect.scatter.add.f32 [tilespmem:s26], [sflag:$0x8], $0x20, s21, s19, $0xb8;
	[tilespmem:$0x1F820] =	vst v63  }
0x6f: {  	_ =	swait.ge [sflag:s8], $0x1000  }
0x70: {  	[sflag:s8] =	ssyncset.done $0x0  }
0x71: {  	[sflag:s8] =	ssyncadd.s32 $0xFFFFF000  }
0x72: {  	_ =	swait.ge [sflag:s10], $0x1000  }
0x73: {  	[sflag:s10] =	ssyncset.done $0x0  }
0x74: {  	[sflag:s10] =	ssyncadd.s32 $0xFFFFF000  }
0x75: {  	_ =	swait.ge [sflag:s6], $0x1000  }
0x76: {  	[sflag:s6] =	ssyncset.done $0x0  }
0x77: {  	[sflag:s6] =	ssyncadd.s32 $0xFFFFF000  }
0x78: {  	_ =	swait.ge [sflag:s9], $0x1000  }
0x79: {  	s0 =	simm.s32 $0x80;
	s7 =	simm.s32 $0x100;
	[sflag:s9] =	ssyncset.done $0x0  }
.LBB2_6:
0x7a: {  	s13 =	sadd.s32 s0, s12  }
0x7b: {  	[sflag:s9] =	ssyncadd.s32 $0xFFFFF000;
	s21 =	smov.u32 s7;
	s14 =	sadd.s32 $0x80, s7  }
0x7c: {  	[tilespmem:s17], [sflag:$0x9] =	stream.linear.gather [hbm4b:s13+s4], $0x400, $0x38;
	[tilespmem:$0x1F820] =	vst v63  }
0x7d: {  	s13 =	simm.s32 $0x19080  }
0x7e: {  	p0 =	sne.s32 s7, $0x1800;
	_ =	swait.ge [sflag:s15], $0x400  }
0x7f: {  	s7 =	sadd.s32 s0, s11;
	[sflag:s15] =	ssyncset.done $0x0  }
0x80: {  	s0 =	smov.u32 s21;
	s21 =	simm.s32 $0x19100;
	[sflag:s15] =	ssyncadd.s32 $0xFFFFFC00  }
0x81: {  	[tilespmem:s18], [sflag:$0x9] =	stream.linear.gather [hbm4b:s7+s4], $0x400, $0x38;
	[tilespmem:$0x1F820] =	vst v63  }
0x82: {  	_ =	swait.ge [sflag:s15], $0x400  }
0x83: {  	[sflag:s15] =	ssyncset.done $0x0  }
0x84: {  	[sflag:s15] =	ssyncadd.s32 $0xFFFFFC00  }
0x85: {  	[tilespmem:s20], [sflag:$0x1] =	stream.indirect.gather [hbm4b:s1+s19], $0x20, s17, s19, $0xb8;
	[tilespmem:$0x1F820] =	vst v63  }
0x86: {  	_ = 	snop  }
0x87: {  	[tilespmem:s22], [sflag:$0x2] =	stream.indirect.gather [hbm4b:s1+s19], $0x20, s13, s19, $0xb8;
	[tilespmem:$0x1F820] =	vst v63  }
0x88: {  	_ = 	snop  }
0x89: {  	[tilespmem:s24], [sflag:$0x3] =	stream.indirect.gather [hbm4b:s1+s19], $0x20, s21, s19, $0xb8;
	[tilespmem:$0x1F820] =	vst v63  }
0x8a: {  	_ = 	snop  }
0x8b: {  	[tilespmem:s26], [sflag:$0x4] =	stream.indirect.gather [hbm4b:s1+s19], $0x20, s25, s19, $0xb8;
	[tilespmem:$0x1F820] =	vst v63  }
0x8c: {  	_ =	swait.ge [sflag:s28], $0x1000  }
0x8d: {  	[sflag:s28] =	ssyncset.done $0x0  }
0x8e: {  	[sflag:s28] =	ssyncadd.s32 $0xFFFFF000  }
0x8f: {  	[spmem:s3] =	stream.indirect.scatter.add.f32 [tilespmem:s20], [sflag:$0x5], $0x20, s18, s19, $0xb8;
	[tilespmem:$0x1F820] =	vst v63  }
0x90: {  	_ =	swait.ge [sflag:s29], $0x1000  }
0x91: {  	[sflag:s29] =	ssyncset.done $0x0  }
0x92: {  	[sflag:s29] =	ssyncadd.s32 $0xFFFFF000  }
0x93: {  	[spmem:s3] =	stream.indirect.scatter.add.f32 [tilespmem:s22], [sflag:$0x6], $0x20, s30, s19, $0xb8;
	[tilespmem:$0x1F820] =	vst v63  }
0x94: {  	_ =	swait.ge [sflag:s31], $0x1000  }
0x95: {  	[sflag:s31] =	ssyncset.done $0x0  }
0x96: {  	[sflag:s31] =	ssyncadd.s32 $0xFFFFF000  }
0x97: {  	[spmem:s3] =	stream.indirect.scatter.add.f32 [tilespmem:s24], [sflag:$0x7], $0x20, s2, s19, $0xb8;
	[tilespmem:$0x1F820] =	vst v63  }
0x98: {  	_ =	swait.ge [sflag:s16], $0x1000  }
0x99: {  	[sflag:s16] =	ssyncset.done $0x0  }
0x9a: {  	[sflag:s16] =	ssyncadd.s32 $0xFFFFF000  }
0x9b: {  	[spmem:s3] =	stream.indirect.scatter.add.f32 [tilespmem:s26], [sflag:$0x8], $0x20, s23, s19, $0xb8;
	[tilespmem:$0x1F820] =	vst v63  }
0x9c: {  	_ =	swait.ge [sflag:s8], $0x1000  }
0x9d: {  	[sflag:s8] =	ssyncset.done $0x0  }
0x9e: {  	[sflag:s8] =	ssyncadd.s32 $0xFFFFF000  }
0x9f: {  	_ =	swait.ge [sflag:s10], $0x1000  }
0xa0: {  	[sflag:s10] =	ssyncset.done $0x0  }
0xa1: {  	[sflag:s10] =	ssyncadd.s32 $0xFFFFF000  }
0xa2: {  	_ =	swait.ge [sflag:s6], $0x1000  }
0xa3: {  	[sflag:s6] =	ssyncset.done $0x0  }
0xa4: {  	[sflag:s6] =	ssyncadd.s32 $0xFFFFF000  }
0xa5: {  	_ =	swait.ge [sflag:s9], $0x1000  }
0xa6: {  	[sflag:s9] =	ssyncset.done $0x0  }
0xa7: {  	s7 =	simm.s32 $0x19200;
	[sflag:s9] =	ssyncadd.s32 $0xFFFFF000  }
0xa8: {  	[tilespmem:s20], [sflag:$0x1] =	stream.indirect.gather [hbm4b:s1+s19], $0x20, s7, s19, $0xb8;
	[tilespmem:$0x1F820] =	vst v63  }
0xa9: {  	s7 =	simm.s32 $0x19280  }
0xaa: {  	[tilespmem:s22], [sflag:$0x2] =	stream.indirect.gather [hbm4b:s1+s19], $0x20, s7, s19, $0xb8;
	[tilespmem:$0x1F820] =	vst v63  }
0xab: {  	s7 =	simm.s32 $0x19300  }
0xac: {  	[tilespmem:s24], [sflag:$0x3] =	stream.indirect.gather [hbm4b:s1+s19], $0x20, s7, s19, $0xb8;
	[tilespmem:$0x1F820] =	vst v63  }
0xad: {  	s7 =	simm.s32 $0x19380  }
0xae: {  	[tilespmem:s26], [sflag:$0x4] =	stream.indirect.gather [hbm4b:s1+s19], $0x20, s7, s19, $0xb8;
	[tilespmem:$0x1F820] =	vst v63  }
0xaf: {  	_ =	swait.ge [sflag:s28], $0x1000  }
0xb0: {  	[sflag:s28] =	ssyncset.done $0x0  }
0xb1: {  	s7 =	simm.s32 $0x19600;
	[sflag:s28] =	ssyncadd.s32 $0xFFFFF000  }
0xb2: {  	[spmem:s3] =	stream.indirect.scatter.add.f32 [tilespmem:s20], [sflag:$0x5], $0x20, s7, s19, $0xb8;
	[tilespmem:$0x1F820] =	vst v63  }
0xb3: {  	_ =	swait.ge [sflag:s29], $0x1000  }
0xb4: {  	[sflag:s29] =	ssyncset.done $0x0  }
0xb5: {  	s7 =	simm.s32 $0x19680;
	[sflag:s29] =	ssyncadd.s32 $0xFFFFF000  }
0xb6: {  	[spmem:s3] =	stream.indirect.scatter.add.f32 [tilespmem:s22], [sflag:$0x6], $0x20, s7, s19, $0xb8;
	[tilespmem:$0x1F820] =	vst v63  }
0xb7: {  	_ =	swait.ge [sflag:s31], $0x1000  }
0xb8: {  	[sflag:s31] =	ssyncset.done $0x0  }
0xb9: {  	s7 =	simm.s32 $0x19700;
	[sflag:s31] =	ssyncadd.s32 $0xFFFFF000  }
0xba: {  	[spmem:s3] =	stream.indirect.scatter.add.f32 [tilespmem:s24], [sflag:$0x7], $0x20, s7, s19, $0xb8;
	[tilespmem:$0x1F820] =	vst v63  }
0xbb: {  	_ =	swait.ge [sflag:s16], $0x1000  }
0xbc: {  	[sflag:s16] =	ssyncset.done $0x0  }
0xbd: {  	s7 =	simm.s32 $0x19780;
	[sflag:s16] =	ssyncadd.s32 $0xFFFFF000  }
0xbe: {  	[spmem:s3] =	stream.indirect.scatter.add.f32 [tilespmem:s26], [sflag:$0x8], $0x20, s7, s19, $0xb8;
	[tilespmem:$0x1F820] =	vst v63  }
0xbf: {  	_ =	swait.ge [sflag:s8], $0x1000  }
0xc0: {  	[sflag:s8] =	ssyncset.done $0x0  }
0xc1: {  	[sflag:s8] =	ssyncadd.s32 $0xFFFFF000  }
0xc2: {  	_ =	swait.ge [sflag:s10], $0x1000  }
0xc3: {  	[sflag:s10] =	ssyncset.done $0x0  }
0xc4: {  	[sflag:s10] =	ssyncadd.s32 $0xFFFFF000  }
.Ltmp2:
0xc5: {  	_ =	swait.ge [sflag:s6], $0x1000;
	(pc) =	sbr.rel @p0 .LBB2_6-.Ltmp2, $4  }
0xc6: {  	[sflag:s6] =	ssyncset.done $0x0  }
0xc7: {  	[sflag:s6] =	ssyncadd.s32 $0xFFFFF000  }
0xc8: {  	_ =	swait.ge [sflag:s9], $0x1000  }
0xc9: {  	s7 =	smov.u32 s14;
	[sflag:s9] =	ssyncset.done $0x0  }
0xca: {  	s7 =	sadd.s32 s0, s12;
	[sflag:s9] =	ssyncadd.s32 $0xFFFFF000  }
0xcb: {  	[tilespmem:s17], [sflag:$0x9] =	stream.linear.gather [hbm4b:s7+s4], $0x400, $0x38;
	[tilespmem:$0x1F820] =	vst v63  }
0xcc: {  	_ =	swait.ge [sflag:s15], $0x400  }
0xcd: {  	[sflag:s15] =	ssyncset.done $0x0  }
0xce: {  	s14 =	sadd.s32 s0, s11;
	[sflag:s15] =	ssyncadd.s32 $0xFFFFFC00  }
0xcf: {  	[tilespmem:s18], [sflag:$0x9] =	stream.linear.gather [hbm4b:s14+s4], $0x400, $0x38;
	[tilespmem:$0x1F820] =	vst v63  }
0xd0: {  	_ =	swait.ge [sflag:s15], $0x400  }
0xd1: {  	[sflag:s15] =	ssyncset.done $0x0  }
0xd2: {  	[sflag:s15] =	ssyncadd.s32 $0xFFFFFC00  }
0xd3: {  	[tilespmem:s20], [sflag:$0x1] =	stream.indirect.gather [hbm4b:s1+s19], $0x20, s17, s19, $0xb8;
	[tilespmem:$0x1F820] =	vst v63  }
0xd4: {  	_ = 	snop  }
0xd5: {  	[tilespmem:s22], [sflag:$0x2] =	stream.indirect.gather [hbm4b:s1+s19], $0x20, s13, s19, $0xb8;
	[tilespmem:$0x1F820] =	vst v63  }
0xd6: {  	_ = 	snop  }
0xd7: {  	[tilespmem:s24], [sflag:$0x3] =	stream.indirect.gather [hbm4b:s1+s19], $0x20, s21, s19, $0xb8;
	[tilespmem:$0x1F820] =	vst v63  }
0xd8: {  	_ = 	snop  }
0xd9: {  	[tilespmem:s26], [sflag:$0x4] =	stream.indirect.gather [hbm4b:s1+s19], $0x20, s25, s19, $0xb8;
	[tilespmem:$0x1F820] =	vst v63  }
0xda: {  	_ =	swait.ge [sflag:s28], $0x1000  }
0xdb: {  	[sflag:s28] =	ssyncset.done $0x0  }
0xdc: {  	[sflag:s28] =	ssyncadd.s32 $0xFFFFF000  }
0xdd: {  	[spmem:s3] =	stream.indirect.scatter.add.f32 [tilespmem:s20], [sflag:$0x5], $0x20, s18, s19, $0xb8;
	[tilespmem:$0x1F820] =	vst v63  }
0xde: {  	_ =	swait.ge [sflag:s29], $0x1000  }
0xdf: {  	[sflag:s29] =	ssyncset.done $0x0  }
0xe0: {  	[sflag:s29] =	ssyncadd.s32 $0xFFFFF000  }
0xe1: {  	[spmem:s3] =	stream.indirect.scatter.add.f32 [tilespmem:s22], [sflag:$0x6], $0x20, s30, s19, $0xb8;
	[tilespmem:$0x1F820] =	vst v63  }
0xe2: {  	_ =	swait.ge [sflag:s31], $0x1000  }
0xe3: {  	[sflag:s31] =	ssyncset.done $0x0  }
0xe4: {  	[sflag:s31] =	ssyncadd.s32 $0xFFFFF000  }
0xe5: {  	[spmem:s3] =	stream.indirect.scatter.add.f32 [tilespmem:s24], [sflag:$0x7], $0x20, s2, s19, $0xb8;
	[tilespmem:$0x1F820] =	vst v63  }
0xe6: {  	_ =	swait.ge [sflag:s16], $0x1000  }
0xe7: {  	[sflag:s16] =	ssyncset.done $0x0  }
0xe8: {  	[sflag:s16] =	ssyncadd.s32 $0xFFFFF000  }
0xe9: {  	[spmem:s3] =	stream.indirect.scatter.add.f32 [tilespmem:s26], [sflag:$0x8], $0x20, s23, s19, $0xb8;
	[tilespmem:$0x1F820] =	vst v63  }
0xea: {  	_ =	swait.ge [sflag:s8], $0x1000  }
0xeb: {  	[sflag:s8] =	ssyncset.done $0x0  }
0xec: {  	[sflag:s8] =	ssyncadd.s32 $0xFFFFF000  }
0xed: {  	_ =	swait.ge [sflag:s10], $0x1000  }
0xee: {  	[sflag:s10] =	ssyncset.done $0x0  }
0xef: {  	[sflag:s10] =	ssyncadd.s32 $0xFFFFF000  }
0xf0: {  	_ =	swait.ge [sflag:s6], $0x1000  }
0xf1: {  	[sflag:s6] =	ssyncset.done $0x0  }
0xf2: {  	[sflag:s6] =	ssyncadd.s32 $0xFFFFF000  }
0xf3: {  	_ =	swait.ge [sflag:s9], $0x1000  }
0xf4: {  	[sflag:s9] =	ssyncset.done $0x0  }
0xf5: {  	s2 =	simm.s32 $0x19200;
	[sflag:s9] =	ssyncadd.s32 $0xFFFFF000  }
0xf6: {  	[tilespmem:s20], [sflag:$0x1] =	stream.indirect.gather [hbm4b:s1+s19], $0x20, s2, s19, $0xb8;
	[tilespmem:$0x1F820] =	vst v63  }
0xf7: {  	s7 =	simm.s32 $0x19280  }
0xf8: {  	[tilespmem:s22], [sflag:$0x2] =	stream.indirect.gather [hbm4b:s1+s19], $0x20, s7, s19, $0xb8;
	[tilespmem:$0x1F820] =	vst v63  }
0xf9: {  	s13 =	simm.s32 $0x19300  }
0xfa: {  	[tilespmem:s24], [sflag:$0x3] =	stream.indirect.gather [hbm4b:s1+s19], $0x20, s13, s19, $0xb8;
	[tilespmem:$0x1F820] =	vst v63  }
0xfb: {  	s14 =	simm.s32 $0x19380  }
0xfc: {  	[tilespmem:s26], [sflag:$0x4] =	stream.indirect.gather [hbm4b:s1+s19], $0x20, s14, s19, $0xb8;
	[tilespmem:$0x1F820] =	vst v63  }
0xfd: {  	_ =	swait.ge [sflag:s28], $0x1000  }
0xfe: {  	[sflag:s28] =	ssyncset.done $0x0  }
0xff: {  	s21 =	simm.s32 $0x19600;
	[sflag:s28] =	ssyncadd.s32 $0xFFFFF000  }
0x100: {  	[spmem:s3] =	stream.indirect.scatter.add.f32 [tilespmem:s20], [sflag:$0x5], $0x20, s21, s19, $0xb8;
	[tilespmem:$0x1F820] =	vst v63  }
0x101: {  	_ =	swait.ge [sflag:s29], $0x1000  }
0x102: {  	[sflag:s29] =	ssyncset.done $0x0  }
0x103: {  	s23 =	simm.s32 $0x19680;
	[sflag:s29] =	ssyncadd.s32 $0xFFFFF000  }
0x104: {  	[spmem:s3] =	stream.indirect.scatter.add.f32 [tilespmem:s22], [sflag:$0x6], $0x20, s23, s19, $0xb8;
	[tilespmem:$0x1F820] =	vst v63  }
0x105: {  	_ =	swait.ge [sflag:s31], $0x1000  }
0x106: {  	[sflag:s31] =	ssyncset.done $0x0  }
0x107: {  	s25 =	simm.s32 $0x19700;
	[sflag:s31] =	ssyncadd.s32 $0xFFFFF000  }
0x108: {  	[spmem:s3] =	stream.indirect.scatter.add.f32 [tilespmem:s24], [sflag:$0x7], $0x20, s25, s19, $0xb8;
	[tilespmem:$0x1F820] =	vst v63  }
0x109: {  	_ =	swait.ge [sflag:s16], $0x1000  }
0x10a: {  	[sflag:s16] =	ssyncset.done $0x0  }
0x10b: {  	s30 =	simm.s32 $0x19780;
	[sflag:s16] =	ssyncadd.s32 $0xFFFFF000  }
0x10c: {  	[spmem:s3] =	stream.indirect.scatter.add.f32 [tilespmem:s26], [sflag:$0x8], $0x20, s30, s19, $0xb8;
	[tilespmem:$0x1F820] =	vst v63  }
0x10d: {  	_ =	swait.ge [sflag:s8], $0x1000  }
0x10e: {  	[sflag:s8] =	ssyncset.done $0x0  }
0x10f: {  	[sflag:s8] =	ssyncadd.s32 $0xFFFFF000  }
0x110: {  	_ =	swait.ge [sflag:s10], $0x1000  }
0x111: {  	[sflag:s10] =	ssyncset.done $0x0  }
0x112: {  	[sflag:s10] =	ssyncadd.s32 $0xFFFFF000  }
0x113: {  	_ =	swait.ge [sflag:s6], $0x1000  }
0x114: {  	[sflag:s6] =	ssyncset.done $0x0  }
0x115: {  	[sflag:s6] =	ssyncadd.s32 $0xFFFFF000  }
0x116: {  	_ =	swait.ge [sflag:s9], $0x1000  }
0x117: {  	[sflag:s9] =	ssyncset.done $0x0  }
0x118: {  	[sflag:s9] =	ssyncadd.s32 $0xFFFFF000  }
0x119: {  	[bflag:$0x0] =	sbarrier.arrive $0xFFFF  }
0x11a: {  	v1 =	vld [tilespmem:$0x1F800]  }
0x11b: {  	s0 =	simm.s32 $0x0;
	s2 =	simm.s32 $0x1E800;
	v2 =	vld [tilespmem:$0x1F810]  }
.LBB2_8:
0x11c: {  	s7 =	sshll.u32 s0, $0x7;
	s13 =	rddreg [dreg:$0x6]  }
0x11d: {  	s14 =	sadd.s32 s13, s7  }
0x11e: {  	s7 =	sshll.u32 s14, $0x5  }
0x11f: {  	s7 =	sand.u32 $0x3FFFFFE0, s7  }
0x120: {  	s7 =	sadd.s32 s7, s3  }
0x121: {  	[tilespmem:s2], [sflag:$0x9] =	stream.linear.gather [spmem:s7], $0x1000, $0x38;
	[tilespmem:$0x1F820] =	vst v63  }
0x122: {  	_ =	swait.ge [sflag:s15], $0x1000  }
0x123: {  	[sflag:s15] =	ssyncset.done $0x0  }
0x124: {  	s30 =	simm.s32 $0x1D800;
	[sflag:s15] =	ssyncadd.s32 $0xFFFFF000  }
0x125: {  	[spmem:s7] =	stream.linear.scatter [tilespmem:s30], [sflag:$0x9], $0x1000, $0x38;
	[tilespmem:$0x1F820] =	vst v63  }
0x126: {  	_ =	swait.ge [sflag:s15], $0x1000  }
0x127: {  	[sflag:s15] =	ssyncset.done $0x0  }
0x128: {  	s7 =	simm.s32 $0x0;
	[sflag:s15] =	ssyncadd.s32 $0xFFFFF000  }
0x129: {  	s13 =	simm.s32 $0x80;
	v3 =	vld [tilespmem:s7+$0x1E800]  }
.LBB2_9:
0x12a: {  	p0 =	sne.s32 s13, $0x3F80;
	v4 =	vld [tilespmem:s7+$0x1E810];
	_ =	sdelay $0x3  }
.Ltmp3:
0x12b: {  	v3 =	vadd.f32 v3, v1;
	(pc) =	sbr.rel @p0 .LBB2_9-.Ltmp3, $4  }
0x12c: {  	v4 =	vadd.f32 v4, v2  }
0x12d: {  	v3 =	vmax.f32 v3, $0.0e+00  }
0x12e: {  	s21 =	sshra.s32 s13, $0x2;
	[tilespmem:s7+$0x1E800] =	vst v3;
	v4 =	vmax.f32 v4, $0.0e+00  }
0x12f: {  	s13 =	sadd.s32 $0x80, s13;
	v3 =	vld [tilespmem:s21+$0x1E800];
	[tilespmem:s7+$0x1E810] =	vst v4;
	s7 =	smov.u32 s21  }
0x130: {  	v4 =	vld [tilespmem:s7+$0x1E810];
	_ =	sdelay $0x3  }
0x131: {  	v3 =	vadd.f32 v3, v1  }
0x132: {  	s13 =	rddreg [dreg:$0x9];
	v4 =	vadd.f32 v4, v2  }
0x133: {  	s0 =	sadd.s32 $0x1, s0;
	s13 =	sadd.s32 s13, s14;
	v3 =	vmax.f32 v3, $0.0e+00  }
0x134: {  	p0 =	sne.s32 s0, $0x19;
	s13 =	sshll.u32 s13, $0x2;
	[tilespmem:s7+$0x1E800] =	vst v3;
	v3 =	vmax.f32 v4, $0.0e+00  }
.Ltmp4:
0x135: {  	s30 =	sadd.s32 s5, s13;
	[tilespmem:s7+$0x1E810] =	vst v3;
	(pc) =	sbr.rel @p0 .LBB2_8-.Ltmp4, $4  }
0x136: {  	[hbm4b:s30+s4] =	stream.linear.scatter [tilespmem:s2], [sflag:$0x9], $0x1000, $0x38;
	[tilespmem:$0x1F820] =	vst v63  }
0x137: {  	_ =	swait.ge [sflag:s15], $0x1000  }
0x138: {  	[sflag:s15] =	ssyncset.done $0x0  }
0x139: {  	[sflag:s15] =	ssyncadd.s32 $0xFFFFF000  }
0x13a: {  	[bflag:$0x0] =	sbarrier.arrive $0xFFFF;
	s0 =	sadd.s32 $0x0, s12  }
0x13b: {  	[tilespmem:s17], [sflag:$0x9] =	stream.linear.gather [hbm4b:s0+s4], $0x400, $0x38;
	[tilespmem:$0x1F820] =	vst v63  }
0x13c: {  	_ =	swait.ge [sflag:s15], $0x400  }
0x13d: {  	[sflag:s15] =	ssyncset.done $0x0  }
0x13e: {  	s23 =	sadd.s32 $0x0, s11;
	[sflag:s15] =	ssyncadd.s32 $0xFFFFFC00  }
0x13f: {  	[tilespmem:s18], [sflag:$0x9] =	stream.linear.gather [hbm4b:s23+s4], $0x400, $0x38;
	[tilespmem:$0x1F820] =	vst v63  }
0x140: {  	_ =	swait.ge [sflag:s15], $0x400  }
0x141: {  	[sflag:s15] =	ssyncset.done $0x0  }
0x142: {  	[sflag:s15] =	ssyncadd.s32 $0xFFFFFC00  }
0x143: {  	[tilespmem:s20], [sflag:$0x1] =	stream.indirect.gather [hbm4b:s5+s19], $0x20, s17, s19, $0xb8;
	[tilespmem:$0x1F820] =	vst v63  }
0x144: {  	s25 =	simm.s32 $0x19080  }
0x145: {  	[tilespmem:s22], [sflag:$0x2] =	stream.indirect.gather [hbm4b:s5+s19], $0x20, s25, s19, $0xb8;
	[tilespmem:$0x1F820] =	vst v63  }
0x146: {  	s2 =	simm.s32 $0x19100  }
0x147: {  	[tilespmem:s24], [sflag:$0x3] =	stream.indirect.gather [hbm4b:s5+s19], $0x20, s2, s19, $0xb8;
	[tilespmem:$0x1F820] =	vst v63  }
0x148: {  	s25 =	simm.s32 $0x19180  }
0x149: {  	[tilespmem:s26], [sflag:$0x4] =	stream.indirect.gather [hbm4b:s5+s19], $0x20, s25, s19, $0xb8;
	[tilespmem:$0x1F820] =	vst v63  }
0x14a: {  	_ =	swait.ge [sflag:s28], $0x1000  }
0x14b: {  	[sflag:s28] =	ssyncset.done $0x0  }
0x14c: {  	[sflag:s28] =	ssyncadd.s32 $0xFFFFF000  }
0x14d: {  	[spmem:s3] =	stream.indirect.scatter.add.f32 [tilespmem:s20], [sflag:$0x5], $0x20, s18, s19, $0xb8;
	[tilespmem:$0x1F820] =	vst v63  }
0x14e: {  	_ =	swait.ge [sflag:s29], $0x1000  }
0x14f: {  	[sflag:s29] =	ssyncset.done $0x0  }
0x150: {  	s30 =	simm.s32 $0x19480;
	[sflag:s29] =	ssyncadd.s32 $0xFFFFF000  }
0x151: {  	[spmem:s3] =	stream.indirect.scatter.add.f32 [tilespmem:s22], [sflag:$0x6], $0x20, s30, s19, $0xb8;
	[tilespmem:$0x1F820] =	vst v63  }
0x152: {  	_ =	swait.ge [sflag:s31], $0x1000  }
0x153: {  	[sflag:s31] =	ssyncset.done $0x0  }
0x154: {  	s2 =	simm.s32 $0x19500;
	[sflag:s31] =	ssyncadd.s32 $0xFFFFF000  }
0x155: {  	[spmem:s3] =	stream.indirect.scatter.add.f32 [tilespmem:s24], [sflag:$0x7], $0x20, s2, s19, $0xb8;
	[tilespmem:$0x1F820] =	vst v63  }
0x156: {  	_ =	swait.ge [sflag:s16], $0x1000  }
0x157: {  	[sflag:s16] =	ssyncset.done $0x0  }
0x158: {  	s23 =	simm.s32 $0x19580;
	[sflag:s16] =	ssyncadd.s32 $0xFFFFF000  }
0x159: {  	[spmem:s3] =	stream.indirect.scatter.add.f32 [tilespmem:s26], [sflag:$0x8], $0x20, s23, s19, $0xb8;
	[tilespmem:$0x1F820] =	vst v63  }
0x15a: {  	_ =	swait.ge [sflag:s8], $0x1000  }
0x15b: {  	[sflag:s8] =	ssyncset.done $0x0  }
0x15c: {  	[sflag:s8] =	ssyncadd.s32 $0xFFFFF000  }
0x15d: {  	_ =	swait.ge [sflag:s10], $0x1000  }
0x15e: {  	[sflag:s10] =	ssyncset.done $0x0  }
0x15f: {  	[sflag:s10] =	ssyncadd.s32 $0xFFFFF000  }
0x160: {  	_ =	swait.ge [sflag:s6], $0x1000  }
0x161: {  	[sflag:s6] =	ssyncset.done $0x0  }
0x162: {  	[sflag:s6] =	ssyncadd.s32 $0xFFFFF000  }
0x163: {  	_ =	swait.ge [sflag:s9], $0x1000  }
0x164: {  	[sflag:s9] =	ssyncset.done $0x0  }
0x165: {  	s7 =	simm.s32 $0x19200;
	[sflag:s9] =	ssyncadd.s32 $0xFFFFF000  }
0x166: {  	[tilespmem:s20], [sflag:$0x1] =	stream.indirect.gather [hbm4b:s5+s19], $0x20, s7, s19, $0xb8;
	[tilespmem:$0x1F820] =	vst v63  }
0x167: {  	s13 =	simm.s32 $0x19280  }
0x168: {  	[tilespmem:s22], [sflag:$0x2] =	stream.indirect.gather [hbm4b:s5+s19], $0x20, s13, s19, $0xb8;
	[tilespmem:$0x1F820] =	vst v63  }
0x169: {  	s14 =	simm.s32 $0x19300  }
0x16a: {  	[tilespmem:s24], [sflag:$0x3] =	stream.indirect.gather [hbm4b:s5+s19], $0x20, s14, s19, $0xb8;
	[tilespmem:$0x1F820] =	vst v63  }
0x16b: {  	s21 =	simm.s32 $0x19380  }
0x16c: {  	[tilespmem:s26], [sflag:$0x4] =	stream.indirect.gather [hbm4b:s5+s19], $0x20, s21, s19, $0xb8;
	[tilespmem:$0x1F820] =	vst v63  }
0x16d: {  	_ =	swait.ge [sflag:s28], $0x1000  }
0x16e: {  	[sflag:s28] =	ssyncset.done $0x0  }
0x16f: {  	s7 =	simm.s32 $0x19600;
	[sflag:s28] =	ssyncadd.s32 $0xFFFFF000  }
0x170: {  	[spmem:s3] =	stream.indirect.scatter.add.f32 [tilespmem:s20], [sflag:$0x5], $0x20, s7, s19, $0xb8;
	[tilespmem:$0x1F820] =	vst v63  }
0x171: {  	_ =	swait.ge [sflag:s29], $0x1000  }
0x172: {  	[sflag:s29] =	ssyncset.done $0x0  }
0x173: {  	s13 =	simm.s32 $0x19680;
	[sflag:s29] =	ssyncadd.s32 $0xFFFFF000  }
0x174: {  	[spmem:s3] =	stream.indirect.scatter.add.f32 [tilespmem:s22], [sflag:$0x6], $0x20, s13, s19, $0xb8;
	[tilespmem:$0x1F820] =	vst v63  }
0x175: {  	_ =	swait.ge [sflag:s31], $0x1000  }
0x176: {  	[sflag:s31] =	ssyncset.done $0x0  }
0x177: {  	s14 =	simm.s32 $0x19700;
	[sflag:s31] =	ssyncadd.s32 $0xFFFFF000  }
0x178: {  	[spmem:s3] =	stream.indirect.scatter.add.f32 [tilespmem:s24], [sflag:$0x7], $0x20, s14, s19, $0xb8;
	[tilespmem:$0x1F820] =	vst v63  }
0x179: {  	_ =	swait.ge [sflag:s16], $0x1000  }
0x17a: {  	[sflag:s16] =	ssyncset.done $0x0  }
0x17b: {  	s21 =	simm.s32 $0x19780;
	[sflag:s16] =	ssyncadd.s32 $0xFFFFF000  }
0x17c: {  	[spmem:s3] =	stream.indirect.scatter.add.f32 [tilespmem:s26], [sflag:$0x8], $0x20, s21, s19, $0xb8;
	[tilespmem:$0x1F820] =	vst v63  }
0x17d: {  	_ =	swait.ge [sflag:s8], $0x1000  }
0x17e: {  	[sflag:s8] =	ssyncset.done $0x0  }
0x17f: {  	[sflag:s8] =	ssyncadd.s32 $0xFFFFF000  }
0x180: {  	_ =	swait.ge [sflag:s10], $0x1000  }
0x181: {  	[sflag:s10] =	ssyncset.done $0x0  }
0x182: {  	[sflag:s10] =	ssyncadd.s32 $0xFFFFF000  }
0x183: {  	_ =	swait.ge [sflag:s6], $0x1000  }
0x184: {  	[sflag:s6] =	ssyncset.done $0x0  }
0x185: {  	[sflag:s6] =	ssyncadd.s32 $0xFFFFF000  }
0x186: {  	_ =	swait.ge [sflag:s9], $0x1000  }
0x187: {  	s0 =	simm.s32 $0x80;
	s7 =	simm.s32 $0x100;
	[sflag:s9] =	ssyncset.done $0x0  }
.LBB2_12:
0x188: {  	s13 =	sadd.s32 s0, s12  }
0x189: {  	[sflag:s9] =	ssyncadd.s32 $0xFFFFF000;
	s21 =	smov.u32 s7;
	s14 =	sadd.s32 $0x80, s7  }
0x18a: {  	[tilespmem:s17], [sflag:$0x9] =	stream.linear.gather [hbm4b:s13+s4], $0x400, $0x38;
	[tilespmem:$0x1F820] =	vst v63  }
0x18b: {  	s13 =	simm.s32 $0x19080  }
0x18c: {  	p0 =	sne.s32 s7, $0x1800;
	_ =	swait.ge [sflag:s15], $0x400  }
0x18d: {  	s7 =	sadd.s32 s0, s11;
	[sflag:s15] =	ssyncset.done $0x0  }
0x18e: {  	s0 =	smov.u32 s21;
	s21 =	simm.s32 $0x19100;
	[sflag:s15] =	ssyncadd.s32 $0xFFFFFC00  }
0x18f: {  	[tilespmem:s18], [sflag:$0x9] =	stream.linear.gather [hbm4b:s7+s4], $0x400, $0x38;
	[tilespmem:$0x1F820] =	vst v63  }
0x190: {  	_ =	swait.ge [sflag:s15], $0x400  }
0x191: {  	[sflag:s15] =	ssyncset.done $0x0  }
0x192: {  	[sflag:s15] =	ssyncadd.s32 $0xFFFFFC00  }
0x193: {  	[tilespmem:s20], [sflag:$0x1] =	stream.indirect.gather [hbm4b:s5+s19], $0x20, s17, s19, $0xb8;
	[tilespmem:$0x1F820] =	vst v63  }
0x194: {  	_ = 	snop  }
0x195: {  	[tilespmem:s22], [sflag:$0x2] =	stream.indirect.gather [hbm4b:s5+s19], $0x20, s13, s19, $0xb8;
	[tilespmem:$0x1F820] =	vst v63  }
0x196: {  	_ = 	snop  }
0x197: {  	[tilespmem:s24], [sflag:$0x3] =	stream.indirect.gather [hbm4b:s5+s19], $0x20, s21, s19, $0xb8;
	[tilespmem:$0x1F820] =	vst v63  }
0x198: {  	_ = 	snop  }
0x199: {  	[tilespmem:s26], [sflag:$0x4] =	stream.indirect.gather [hbm4b:s5+s19], $0x20, s25, s19, $0xb8;
	[tilespmem:$0x1F820] =	vst v63  }
0x19a: {  	_ =	swait.ge [sflag:s28], $0x1000  }
0x19b: {  	[sflag:s28] =	ssyncset.done $0x0  }
0x19c: {  	[sflag:s28] =	ssyncadd.s32 $0xFFFFF000  }
0x19d: {  	[spmem:s3] =	stream.indirect.scatter.add.f32 [tilespmem:s20], [sflag:$0x5], $0x20, s18, s19, $0xb8;
	[tilespmem:$0x1F820] =	vst v63  }
0x19e: {  	_ =	swait.ge [sflag:s29], $0x1000  }
0x19f: {  	[sflag:s29] =	ssyncset.done $0x0  }
0x1a0: {  	[sflag:s29] =	ssyncadd.s32 $0xFFFFF000  }
0x1a1: {  	[spmem:s3] =	stream.indirect.scatter.add.f32 [tilespmem:s22], [sflag:$0x6], $0x20, s30, s19, $0xb8;
	[tilespmem:$0x1F820] =	vst v63  }
0x1a2: {  	_ =	swait.ge [sflag:s31], $0x1000  }
0x1a3: {  	[sflag:s31] =	ssyncset.done $0x0  }
0x1a4: {  	[sflag:s31] =	ssyncadd.s32 $0xFFFFF000  }
0x1a5: {  	[spmem:s3] =	stream.indirect.scatter.add.f32 [tilespmem:s24], [sflag:$0x7], $0x20, s2, s19, $0xb8;
	[tilespmem:$0x1F820] =	vst v63  }
0x1a6: {  	_ =	swait.ge [sflag:s16], $0x1000  }
0x1a7: {  	[sflag:s16] =	ssyncset.done $0x0  }
0x1a8: {  	[sflag:s16] =	ssyncadd.s32 $0xFFFFF000  }
0x1a9: {  	[spmem:s3] =	stream.indirect.scatter.add.f32 [tilespmem:s26], [sflag:$0x8], $0x20, s23, s19, $0xb8;
	[tilespmem:$0x1F820] =	vst v63  }
0x1aa: {  	_ =	swait.ge [sflag:s8], $0x1000  }
0x1ab: {  	[sflag:s8] =	ssyncset.done $0x0  }
0x1ac: {  	[sflag:s8] =	ssyncadd.s32 $0xFFFFF000  }
0x1ad: {  	_ =	swait.ge [sflag:s10], $0x1000  }
0x1ae: {  	[sflag:s10] =	ssyncset.done $0x0  }
0x1af: {  	[sflag:s10] =	ssyncadd.s32 $0xFFFFF000  }
0x1b0: {  	_ =	swait.ge [sflag:s6], $0x1000  }
0x1b1: {  	[sflag:s6] =	ssyncset.done $0x0  }
0x1b2: {  	[sflag:s6] =	ssyncadd.s32 $0xFFFFF000  }
0x1b3: {  	_ =	swait.ge [sflag:s9], $0x1000  }
0x1b4: {  	[sflag:s9] =	ssyncset.done $0x0  }
0x1b5: {  	s7 =	simm.s32 $0x19200;
	[sflag:s9] =	ssyncadd.s32 $0xFFFFF000  }
0x1b6: {  	[tilespmem:s20], [sflag:$0x1] =	stream.indirect.gather [hbm4b:s5+s19], $0x20, s7, s19, $0xb8;
	[tilespmem:$0x1F820] =	vst v63  }
0x1b7: {  	s7 =	simm.s32 $0x19280  }
0x1b8: {  	[tilespmem:s22], [sflag:$0x2] =	stream.indirect.gather [hbm4b:s5+s19], $0x20, s7, s19, $0xb8;
	[tilespmem:$0x1F820] =	vst v63  }
0x1b9: {  	s7 =	simm.s32 $0x19300  }
0x1ba: {  	[tilespmem:s24], [sflag:$0x3] =	stream.indirect.gather [hbm4b:s5+s19], $0x20, s7, s19, $0xb8;
	[tilespmem:$0x1F820] =	vst v63  }
0x1bb: {  	s7 =	simm.s32 $0x19380  }
0x1bc: {  	[tilespmem:s26], [sflag:$0x4] =	stream.indirect.gather [hbm4b:s5+s19], $0x20, s7, s19, $0xb8;
	[tilespmem:$0x1F820] =	vst v63  }
0x1bd: {  	_ =	swait.ge [sflag:s28], $0x1000  }
0x1be: {  	[sflag:s28] =	ssyncset.done $0x0  }
0x1bf: {  	s7 =	simm.s32 $0x19600;
	[sflag:s28] =	ssyncadd.s32 $0xFFFFF000  }
0x1c0: {  	[spmem:s3] =	stream.indirect.scatter.add.f32 [tilespmem:s20], [sflag:$0x5], $0x20, s7, s19, $0xb8;
	[tilespmem:$0x1F820] =	vst v63  }
0x1c1: {  	_ =	swait.ge [sflag:s29], $0x1000  }
0x1c2: {  	[sflag:s29] =	ssyncset.done $0x0  }
0x1c3: {  	s7 =	simm.s32 $0x19680;
	[sflag:s29] =	ssyncadd.s32 $0xFFFFF000  }
0x1c4: {  	[spmem:s3] =	stream.indirect.scatter.add.f32 [tilespmem:s22], [sflag:$0x6], $0x20, s7, s19, $0xb8;
	[tilespmem:$0x1F820] =	vst v63  }
0x1c5: {  	_ =	swait.ge [sflag:s31], $0x1000  }
0x1c6: {  	[sflag:s31] =	ssyncset.done $0x0  }
0x1c7: {  	s7 =	simm.s32 $0x19700;
	[sflag:s31] =	ssyncadd.s32 $0xFFFFF000  }
0x1c8: {  	[spmem:s3] =	stream.indirect.scatter.add.f32 [tilespmem:s24], [sflag:$0x7], $0x20, s7, s19, $0xb8;
	[tilespmem:$0x1F820] =	vst v63  }
0x1c9: {  	_ =	swait.ge [sflag:s16], $0x1000  }
0x1ca: {  	[sflag:s16] =	ssyncset.done $0x0  }
0x1cb: {  	s7 =	simm.s32 $0x19780;
	[sflag:s16] =	ssyncadd.s32 $0xFFFFF000  }
0x1cc: {  	[spmem:s3] =	stream.indirect.scatter.add.f32 [tilespmem:s26], [sflag:$0x8], $0x20, s7, s19, $0xb8;
	[tilespmem:$0x1F820] =	vst v63  }
0x1cd: {  	_ =	swait.ge [sflag:s8], $0x1000  }
0x1ce: {  	[sflag:s8] =	ssyncset.done $0x0  }
0x1cf: {  	[sflag:s8] =	ssyncadd.s32 $0xFFFFF000  }
0x1d0: {  	_ =	swait.ge [sflag:s10], $0x1000  }
0x1d1: {  	[sflag:s10] =	ssyncset.done $0x0  }
0x1d2: {  	[sflag:s10] =	ssyncadd.s32 $0xFFFFF000  }
.Ltmp5:
0x1d3: {  	_ =	swait.ge [sflag:s6], $0x1000;
	(pc) =	sbr.rel @p0 .LBB2_12-.Ltmp5, $4  }
0x1d4: {  	[sflag:s6] =	ssyncset.done $0x0  }
0x1d5: {  	[sflag:s6] =	ssyncadd.s32 $0xFFFFF000  }
0x1d6: {  	_ =	swait.ge [sflag:s9], $0x1000  }
0x1d7: {  	s7 =	smov.u32 s14;
	[sflag:s9] =	ssyncset.done $0x0  }
0x1d8: {  	s7 =	sadd.s32 s0, s12;
	[sflag:s9] =	ssyncadd.s32 $0xFFFFF000  }
0x1d9: {  	[tilespmem:s17], [sflag:$0x9] =	stream.linear.gather [hbm4b:s7+s4], $0x400, $0x38;
	[tilespmem:$0x1F820] =	vst v63  }
0x1da: {  	_ =	swait.ge [sflag:s15], $0x400  }
0x1db: {  	[sflag:s15] =	ssyncset.done $0x0  }
0x1dc: {  	s14 =	sadd.s32 s0, s11;
	[sflag:s15] =	ssyncadd.s32 $0xFFFFFC00  }
0x1dd: {  	[tilespmem:s18], [sflag:$0x9] =	stream.linear.gather [hbm4b:s14+s4], $0x400, $0x38;
	[tilespmem:$0x1F820] =	vst v63  }
0x1de: {  	_ =	swait.ge [sflag:s15], $0x400  }
0x1df: {  	[sflag:s15] =	ssyncset.done $0x0  }
0x1e0: {  	[sflag:s15] =	ssyncadd.s32 $0xFFFFFC00  }
0x1e1: {  	[tilespmem:s20], [sflag:$0x1] =	stream.indirect.gather [hbm4b:s5+s19], $0x20, s17, s19, $0xb8;
	[tilespmem:$0x1F820] =	vst v63  }
0x1e2: {  	_ = 	snop  }
0x1e3: {  	[tilespmem:s22], [sflag:$0x2] =	stream.indirect.gather [hbm4b:s5+s19], $0x20, s13, s19, $0xb8;
	[tilespmem:$0x1F820] =	vst v63  }
0x1e4: {  	_ = 	snop  }
0x1e5: {  	[tilespmem:s24], [sflag:$0x3] =	stream.indirect.gather [hbm4b:s5+s19], $0x20, s21, s19, $0xb8;
	[tilespmem:$0x1F820] =	vst v63  }
0x1e6: {  	_ = 	snop  }
0x1e7: {  	[tilespmem:s26], [sflag:$0x4] =	stream.indirect.gather [hbm4b:s5+s19], $0x20, s25, s19, $0xb8;
	[tilespmem:$0x1F820] =	vst v63  }
0x1e8: {  	_ =	swait.ge [sflag:s28], $0x1000  }
0x1e9: {  	[sflag:s28] =	ssyncset.done $0x0  }
0x1ea: {  	[sflag:s28] =	ssyncadd.s32 $0xFFFFF000  }
0x1eb: {  	[spmem:s3] =	stream.indirect.scatter.add.f32 [tilespmem:s20], [sflag:$0x5], $0x20, s18, s19, $0xb8;
	[tilespmem:$0x1F820] =	vst v63  }
0x1ec: {  	_ =	swait.ge [sflag:s29], $0x1000  }
0x1ed: {  	[sflag:s29] =	ssyncset.done $0x0  }
0x1ee: {  	[sflag:s29] =	ssyncadd.s32 $0xFFFFF000  }
0x1ef: {  	[spmem:s3] =	stream.indirect.scatter.add.f32 [tilespmem:s22], [sflag:$0x6], $0x20, s30, s19, $0xb8;
	[tilespmem:$0x1F820] =	vst v63  }
0x1f0: {  	_ =	swait.ge [sflag:s31], $0x1000  }
0x1f1: {  	[sflag:s31] =	ssyncset.done $0x0  }
0x1f2: {  	[sflag:s31] =	ssyncadd.s32 $0xFFFFF000  }
0x1f3: {  	[spmem:s3] =	stream.indirect.scatter.add.f32 [tilespmem:s24], [sflag:$0x7], $0x20, s2, s19, $0xb8;
	[tilespmem:$0x1F820] =	vst v63  }
0x1f4: {  	_ =	swait.ge [sflag:s16], $0x1000  }
0x1f5: {  	[sflag:s16] =	ssyncset.done $0x0  }
0x1f6: {  	[sflag:s16] =	ssyncadd.s32 $0xFFFFF000  }
0x1f7: {  	[spmem:s3] =	stream.indirect.scatter.add.f32 [tilespmem:s26], [sflag:$0x8], $0x20, s23, s19, $0xb8;
	[tilespmem:$0x1F820] =	vst v63  }
0x1f8: {  	_ =	swait.ge [sflag:s8], $0x1000  }
0x1f9: {  	[sflag:s8] =	ssyncset.done $0x0  }
0x1fa: {  	[sflag:s8] =	ssyncadd.s32 $0xFFFFF000  }
0x1fb: {  	_ =	swait.ge [sflag:s10], $0x1000  }
0x1fc: {  	[sflag:s10] =	ssyncset.done $0x0  }
0x1fd: {  	[sflag:s10] =	ssyncadd.s32 $0xFFFFF000  }
0x1fe: {  	_ =	swait.ge [sflag:s6], $0x1000  }
0x1ff: {  	[sflag:s6] =	ssyncset.done $0x0  }
0x200: {  	[sflag:s6] =	ssyncadd.s32 $0xFFFFF000  }
0x201: {  	_ =	swait.ge [sflag:s9], $0x1000  }
0x202: {  	[sflag:s9] =	ssyncset.done $0x0  }
0x203: {  	s23 =	simm.s32 $0x19200;
	[sflag:s9] =	ssyncadd.s32 $0xFFFFF000  }
0x204: {  	[tilespmem:s20], [sflag:$0x1] =	stream.indirect.gather [hbm4b:s5+s19], $0x20, s23, s19, $0xb8;
	[tilespmem:$0x1F820] =	vst v63  }
0x205: {  	s25 =	simm.s32 $0x19280  }
0x206: {  	[tilespmem:s22], [sflag:$0x2] =	stream.indirect.gather [hbm4b:s5+s19], $0x20, s25, s19, $0xb8;
	[tilespmem:$0x1F820] =	vst v63  }
0x207: {  	s30 =	simm.s32 $0x19300  }
0x208: {  	[tilespmem:s24], [sflag:$0x3] =	stream.indirect.gather [hbm4b:s5+s19], $0x20, s30, s19, $0xb8;
	[tilespmem:$0x1F820] =	vst v63  }
0x209: {  	s2 =	simm.s32 $0x19380  }
0x20a: {  	[tilespmem:s26], [sflag:$0x4] =	stream.indirect.gather [hbm4b:s5+s19], $0x20, s2, s19, $0xb8;
	[tilespmem:$0x1F820] =	vst v63  }
0x20b: {  	_ =	swait.ge [sflag:s28], $0x1000  }
0x20c: {  	[sflag:s28] =	ssyncset.done $0x0  }
0x20d: {  	s7 =	simm.s32 $0x19600;
	[sflag:s28] =	ssyncadd.s32 $0xFFFFF000  }
0x20e: {  	[spmem:s3] =	stream.indirect.scatter.add.f32 [tilespmem:s20], [sflag:$0x5], $0x20, s7, s19, $0xb8;
	[tilespmem:$0x1F820] =	vst v63  }
0x20f: {  	_ =	swait.ge [sflag:s29], $0x1000  }
0x210: {  	[sflag:s29] =	ssyncset.done $0x0  }
0x211: {  	s13 =	simm.s32 $0x19680;
	[sflag:s29] =	ssyncadd.s32 $0xFFFFF000  }
0x212: {  	[spmem:s3] =	stream.indirect.scatter.add.f32 [tilespmem:s22], [sflag:$0x6], $0x20, s13, s19, $0xb8;
	[tilespmem:$0x1F820] =	vst v63  }
0x213: {  	_ =	swait.ge [sflag:s31], $0x1000  }
0x214: {  	[sflag:s31] =	ssyncset.done $0x0  }
0x215: {  	s14 =	simm.s32 $0x19700;
	[sflag:s31] =	ssyncadd.s32 $0xFFFFF000  }
0x216: {  	[spmem:s3] =	stream.indirect.scatter.add.f32 [tilespmem:s24], [sflag:$0x7], $0x20, s14, s19, $0xb8;
	[tilespmem:$0x1F820] =	vst v63  }
0x217: {  	_ =	swait.ge [sflag:s16], $0x1000  }
0x218: {  	[sflag:s16] =	ssyncset.done $0x0  }
0x219: {  	s21 =	simm.s32 $0x19780;
	[sflag:s16] =	ssyncadd.s32 $0xFFFFF000  }
0x21a: {  	[spmem:s3] =	stream.indirect.scatter.add.f32 [tilespmem:s26], [sflag:$0x8], $0x20, s21, s19, $0xb8;
	[tilespmem:$0x1F820] =	vst v63  }
0x21b: {  	_ =	swait.ge [sflag:s8], $0x1000  }
0x21c: {  	[sflag:s8] =	ssyncset.done $0x0  }
0x21d: {  	[sflag:s8] =	ssyncadd.s32 $0xFFFFF000  }
0x21e: {  	_ =	swait.ge [sflag:s10], $0x1000  }
0x21f: {  	[sflag:s10] =	ssyncset.done $0x0  }
0x220: {  	[sflag:s10] =	ssyncadd.s32 $0xFFFFF000  }
0x221: {  	_ =	swait.ge [sflag:s6], $0x1000  }
0x222: {  	[sflag:s6] =	ssyncset.done $0x0  }
0x223: {  	[sflag:s6] =	ssyncadd.s32 $0xFFFFF000  }
0x224: {  	_ =	swait.ge [sflag:s9], $0x1000  }
0x225: {  	[sflag:s9] =	ssyncset.done $0x0  }
0x226: {  	[sflag:s9] =	ssyncadd.s32 $0xFFFFF000  }
0x227: {  	[bflag:$0x0] =	sbarrier.arrive $0xFFFF  }
0x228: {  	s23 =	stileid.u32;
	s21 =	rddreg [dreg:$0x5]  }
0x229: {  	s0 =	sshll.u32 s23, $0x6;
	s14 =	rddreg [dreg:$0x7]  }
0x22a: {  	s0 =	sor.u32 $0x1C09, s0;
	s25 =	sadd.s32 $0x0, s21;
	s30 =	sshrl.u32 s14, $0x3  }
0x22b: {  	[hbm:s25], [sflag:s0] =	dma.local [spmem:s30], $0x200  }
0x22c: {  	s7 =	simm.s32 $0x200;
	s13 =	sadd.s32 $0x1000, s14;
	_ =	swait.ge [sflag:s15], $0x200  }
.LBB2_14:
0x22d: {  	p0 =	sne.s32 s7, $0x3000  }
.Ltmp6:
0x22e: {  	_ = 	snop;
	(pc) =	sbr.rel @p0 .LBB2_14-.Ltmp6, $4  }
0x22f: {  	s14 =	sadd.s32 s7, s21;
	[sflag:s15] =	ssyncset.done $0x0  }
0x230: {  	s30 =	sshrl.u32 s13, $0x3;
	s7 =	sadd.s32 $0x200, s7;
	[sflag:s15] =	ssyncadd.s32 $0xFFFFFE00  }
0x231: {  	[hbm:s14], [sflag:s0] =	dma.local [spmem:s30], $0x200  }
0x232: {  	s13 =	sadd.s32 $0x1000, s13;
	s21 =	rddreg [dreg:$0x5];
	_ =	swait.ge [sflag:s15], $0x200  }
0x233: {  	s2 =	rddreg [dreg:$0xb]  }
0x234: {  	s0 =	rddreg [dreg:$0xa];
	s2 =	sadd.s32 $0x1, s2  }
0x235: {  	p0 =	sne.s32 s2, s0  }
.Ltmp7:
0x236: {  	_ = 	snop;
	(pc) =	sbr.rel @p0 .LBB2_1-.Ltmp7, $3  }
0x237: {  	_ =	sdelay $0x1  }
0x238: {  	[sflag:s15] =	ssyncset.done $0x0  }
0x239: {  	s13 =	rddreg [dreg:$0x7];
	s14 =	simm.s32 $0x1D800;
	[sflag:s15] =	ssyncadd.s32 $0xFFFFFE00  }
0x23a: {  	_ =	sfence.sel $0x180000  }
0x23b: {  	[bflag:$0x0] =	sbarrier.arrive $0xFFFF  }
0x23c: {  	_ =	strace $0x90000047  }
0x23d: {  	s0 =	stileid.u32;
	[bflag:$0x2] =	sbarrier.arrive $0xFFFF  }
0x23e: {  	p0 =	sne.s32 s0, $0x0;
	s0 =	rddreg [dreg:$0x4]  }
0x23f: {  	s0 =	sadd.s32 @!p0 $0x100000, s0  }
0x240: {  	[sflag:s0] =	ssyncadd.tile.s32 @!p0 $0x1;
	_ =	shalt  }
.Lfunc_end2:
_tile_overlayer_lowered:
.L_overlay_start_2:
0x241: {  	(tag) =	ssettag $0x2  }
0x242: {  	s0 =	rddreg [dreg:$0x0];
	s2 =	stileid.u32  }
0x243: {  	s1 =	rddreg [dreg:$0x1];
	p0 =	sne.s32 s2, $0x0  }
0x244: {  	s3 =	rddreg [dreg:$0x2];
	[bflag:$0x3] =	sbarrier.arrive $0xFFFF;
	s2 =	simm.s32 @!p0 $0x1C09  }
0x245: {  	[timem:s3], [sflag:s2] =	dma.local @!p0 [hbm:s0], s1  }
0x246: {  	s0 =	simm.s32 @!p0 $0x9  }
0x247: {  	_ =	swait.ge @!p0 [sflag:s0], s1  }
0x248: {  	s1 =	ssub.s32 @!p0 $0x0, s1;
	[sflag:s0] =	ssyncset.done @!p0 $0x0  }
0x249: {  	[sflag:s0] =	ssyncadd.s32 @!p0 s1  }
0x24a: {  	[bflag:$0x3] =	sbarrier.arrive $0xFFFF  }
0x24b: {  	_ =	shalt  }

</sc_bundles>
